<compile_context>
chip_gen: v7x
topology: tpu7x:2x2x1
jax: 0.10.2.dev20260603
libtpu: 0.0.44.dev20260713+nightly
codegen_flags: <defaults>
</compile_context>

<pallas_src>
import jax
import jax.numpy as jnp
from jax import lax
from jax.experimental import pallas as pl
from jax.experimental.pallas import tpu as pltpu
from jax.experimental.pallas import tpu_sc as plsc

_B = 16384
_D = 64
_N = 100000
_NC = 2
_NS = 16
_NW = _NC * _NS
_BPW = _B // _NW
_CH = 4
_CHB = _BPW // _CH
_ROWS_PW = 3128
_CPK = 392
_CPN = 8
_LANES = 16


def _sc_body(x_hbm, labels_hbm, centers_hbm, lr_hbm,
             loss_hbm, out_hbm,
             idx_v, x_v, rows_v, lr_v, acc_v, cp0_v, cp1_v,
             sem, sem_ci, sem_co):
    c = lax.axis_index("c")
    s = lax.axis_index("s")
    wid = s * _NC + c
    base = wid * _BPW

    pltpu.sync_copy(labels_hbm.at[wid], idx_v)
    pltpu.sync_copy(lr_hbm, lr_v)
    xcp = pltpu.async_copy(x_hbm.at[pl.ds(base, _BPW)], x_v, sem)
    gathers = [
        pltpu.async_copy(centers_hbm.at[idx_v.at[j]],
                         rows_v.at[pl.ds(j * _CHB, _CHB)], sem)
        for j in range(_CH)
    ]

    lo = jnp.minimum(wid * _ROWS_PW, _N - _ROWS_PW)
    bufs = (cp0_v, cp1_v)
    sizes = [_CPK] * (_CPN - 1) + [_ROWS_PW - _CPK * (_CPN - 1)]
    offs = [k * _CPK for k in range(_CPN)]
    cin = {}
    for k in range(2):
        cin[k] = pltpu.async_copy(
            centers_hbm.at[pl.ds(lo + offs[k], sizes[k])],
            bufs[k].at[pl.ds(0, sizes[k])], sem_ci)
    for k in range(_CPN):
        cin[k].wait()
        cout = pltpu.async_copy(
            bufs[k % 2].at[pl.ds(0, sizes[k])],
            out_hbm.at[pl.ds(lo + offs[k], sizes[k])], sem_co)
        cout.wait()
        if k + 2 < _CPN:
            cin[k + 2] = pltpu.async_copy(
                centers_hbm.at[pl.ds(lo + offs[k + 2], sizes[k + 2])],
                bufs[k % 2].at[pl.ds(0, sizes[k + 2])], sem_ci)

    xcp.wait()
    for cp in gathers:
        cp.wait()

    lrv = lr_v[...]

    def row_body(r, acc):
        for ch in range(_D // _LANES):
            sl = pl.ds(ch * _LANES, _LANES)
            row = rows_v[r, sl]
            xx = x_v[r, sl]
            d = row - xx
            acc = acc + d * d
            rows_v[r, sl] = row - lrv * d
        return acc

    acc = lax.fori_loop(0, _BPW, row_body,
                        jnp.zeros((_LANES,), jnp.float32))
    acc_v[...] = acc
    pltpu.sync_copy(acc_v, loss_hbm.at[pl.ds(wid * _LANES, _LANES)])

    plsc.subcore_barrier()
    scatters = [
        pltpu.async_copy(rows_v.at[pl.ds(j * _CHB, _CHB)],
                         out_hbm.at[idx_v.at[j]], sem)
        for j in range(_CH)
    ]
    for cp in scatters:
        cp.wait()


@jax.jit
def _center_loss(x, labels32, centers, lr16):
    kern = pl.kernel(
        _sc_body,
        out_type=[
            jax.ShapeDtypeStruct((_NW * _LANES,), jnp.float32),
            jax.ShapeDtypeStruct((_N, _D), jnp.float32),
        ],
        mesh=plsc.VectorSubcoreMesh(core_axis_name="c", subcore_axis_name="s"),
        compiler_params=pltpu.CompilerParams(use_tc_tiling_on_sc=False),
        scratch_types=[
            pltpu.VMEM((_CH, _CHB), jnp.int32),
            pltpu.VMEM((_BPW, _D), jnp.float32),
            pltpu.VMEM((_BPW, _D), jnp.float32),
            pltpu.VMEM((_LANES,), jnp.float32),
            pltpu.VMEM((_LANES,), jnp.float32),
            pltpu.VMEM((_CPK, _D), jnp.float32),
            pltpu.VMEM((_CPK, _D), jnp.float32),
            pltpu.SemaphoreType.DMA,
            pltpu.SemaphoreType.DMA,
            pltpu.SemaphoreType.DMA,
        ],
    )
    return kern(x, labels32, centers, lr16)


def kernel(x, labels, centers, lr):
    labels32 = labels.astype(jnp.int32).reshape(_NW, _CH, _CHB)
    lr16 = jnp.broadcast_to(lr.astype(jnp.float32), (_LANES,))
    partials, new_centers = _center_loss(x, labels32, centers, lr16)
    loss = jnp.sum(partials) / 2.0 / _B
    return loss, new_centers

# --- scband reference (transcript-rebuilt; emitter-appended) ---
"""Pipeline reference for scband-center-loss-50319836840009 (READ-ONLY COPY).

The authoritative reference and input builder live on the scoring server;
editing this copy changes nothing except your own understanding.
"""

import jax, jax.numpy as jnp
import numpy as np

NUM_CLASSES = 100000
FEAT_DIM = 64
BATCH = 16384


def setup_inputs(seed: int = 0) -> dict:
    key = jax.random.key(seed)
    k1, k2, k3 = jax.random.split(key, 3)
    x = jax.random.normal(k1, (BATCH, FEAT_DIM), dtype=jnp.float32)
    labels = jax.random.randint(k2, (BATCH,), 0, NUM_CLASSES, dtype=jnp.int64 if jax.config.jax_enable_x64 else jnp.int32)
    # learned parameters per init_kwargs
    centers = jax.random.normal(k3, (NUM_CLASSES, FEAT_DIM), dtype=jnp.float32)
    lr = jnp.array([0.001], dtype=jnp.float32)
    return {"x": x, "labels": labels, "centers": centers, "lr": lr}


def reference(x, labels, centers, lr):
    # Faithful translation of CenterLoss.forward
    batchSize = x.shape[0]
    labels = labels.astype(jnp.int32)
    # centerBatch = centers.index_select(0, labels)
    centerBatch = jnp.take(centers, labels, axis=0)
    diff = centerBatch - x
    loss = jnp.sum((x - centerBatch) ** 2) / 2.0 / batchSize
    # counts = ones(num_classes).scatter_add_(0, labels, ones(batch))
    counts = jnp.ones((centers.shape[0],), dtype=centers.dtype)
    ones = jnp.ones((labels.shape[0],), dtype=centers.dtype)
    counts = counts.at[labels].add(ones)
    # gradCenters.scatter_add_(0, labels.expand, diff)
    gradCenters = jnp.zeros_like(centers).at[labels].add(diff)
    # in-place parameter update: self.centers = centers - lr * gradCenters
    new_centers = centers - lr * gradCenters
    return loss, new_centers

if __name__ == "__main__":
    import jax
    _d = setup_inputs()
    print(jax.jit(kernel)(*tuple(_d.values())))

</pallas_src>

<mosaic_0001>
#map = affine_map<(d0, d1) -> (0, 0)>
#map1 = affine_map<(d0, d1) -> (0, 0, 0)>
#map2 = affine_map<(d0, d1) -> (0)>
module attributes {stable_mosaic.version = 14 : i64} {
  func.func @_sc_body(%arg0: i32, %arg1: i32, %arg2: memref<16384x64xf32, #tpu.memory_space<hbm>>, %arg3: memref<32x4x128xi32, #tpu.memory_space<hbm>>, %arg4: memref<100000x64xf32, #tpu.memory_space<hbm>>, %arg5: memref<16xf32, #tpu.memory_space<hbm>>, %arg6: memref<512xf32, #tpu.memory_space<hbm>>, %arg7: memref<100000x64xf32, #tpu.memory_space<hbm>>, %arg8: memref<4x128xi32, #tpu.memory_space<vmem>>, %arg9: memref<512x64xf32, #tpu.memory_space<vmem>>, %arg10: memref<512x64xf32, #tpu.memory_space<vmem>>, %arg11: memref<16xf32, #tpu.memory_space<vmem>>, %arg12: memref<16xf32, #tpu.memory_space<vmem>>, %arg13: memref<392x64xf32, #tpu.memory_space<vmem>>, %arg14: memref<392x64xf32, #tpu.memory_space<vmem>>, %arg15: memref<!tpu.dma_semaphore, #tpu.memory_space<semaphore_mem>>, %arg16: memref<!tpu.dma_semaphore, #tpu.memory_space<semaphore_mem>>, %arg17: memref<!tpu.dma_semaphore, #tpu.memory_space<semaphore_mem>>) attributes {dimension_semantics = [#tpu.dimension_semantics<core_parallel>, #tpu.dimension_semantics<subcore_parallel>], iteration_bounds = array<i64: 2, 16>, scalar_prefetch = 0 : i64, scratch_operands = 10 : i64, tpu.core_type = #tpu.core_type<sc_vector_subcore>, window_params = [{transform_indices = #map}, {transform_indices = #map1}, {transform_indices = #map}, {transform_indices = #map2}, {transform_indices = #map2}, {transform_indices = #map}]} {
    %mul3A = arith.constant 2 : i32
    %mul3A_0 = arith.muli %arg1, %mul3A : i32
    %add3A = arith.addi %mul3A_0, %arg0 : i32
    %mul3A_1 = arith.constant 512 : i32
    %mul3A_2 = arith.muli %add3A, %mul3A_1 : i32
    "tpu.region"() ({
      %run_scoped3A = tpu.sem_alloc : memref<!tpu.dma_semaphore, #tpu.memory_space<semaphore_mem>>
      %dma_start3A_537 = arith.constant 0 : i32
      %dma_start3A_538 = arith.constant 0 : i32
      %dma_start3A_539 = tpu.memref_slice %arg3[%add3A, %dma_start3A_537, %dma_start3A_538] : memref<32x4x128xi32, #tpu.memory_space<hbm>> -> memref<1x4x128xi32, #tpu.memory_space<hbm>>
      %dma_start3A_540 = tpu.memref_squeeze %dma_start3A_539 : memref<1x4x128xi32, #tpu.memory_space<hbm>> -> memref<4x128xi32, #tpu.memory_space<hbm>>
      %dma_start3A_541 = arith.constant 0 : i32
      %dma_start3A_542 = arith.constant 0 : i32
      %dma_start3A_543 = tpu.memref_slice %arg3[%add3A, %dma_start3A_541, %dma_start3A_542] : memref<32x4x128xi32, #tpu.memory_space<hbm>> -> memref<1x4x128xi32, #tpu.memory_space<hbm>>
      %dma_start3A_544 = tpu.memref_squeeze %dma_start3A_543 : memref<1x4x128xi32, #tpu.memory_space<hbm>> -> memref<4x128xi32, #tpu.memory_space<hbm>>
      tpu.enqueue_dma source(%dma_start3A_544 : memref<4x128xi32, #tpu.memory_space<hbm>>) target(%arg8 : memref<4x128xi32, #tpu.memory_space<vmem>>) target_semaphore(%run_scoped3A : memref<!tpu.dma_semaphore, #tpu.memory_space<semaphore_mem>>)
      %dma_wait3A_545 = arith.constant 0 : i32
      %dma_wait3A_546 = arith.constant 0 : i32
      %dma_wait3A_547 = tpu.memref_slice %arg3[%add3A, %dma_wait3A_545, %dma_wait3A_546] : memref<32x4x128xi32, #tpu.memory_space<hbm>> -> memref<1x4x128xi32, #tpu.memory_space<hbm>>
      %dma_wait3A_548 = tpu.memref_squeeze %dma_wait3A_547 : memref<1x4x128xi32, #tpu.memory_space<hbm>> -> memref<4x128xi32, #tpu.memory_space<hbm>>
      %dma_wait3A_549 = arith.constant 0 : i32
      %dma_wait3A_550 = arith.constant 0 : i32
      %dma_wait3A_551 = tpu.memref_slice %arg3[%add3A, %dma_wait3A_549, %dma_wait3A_550] : memref<32x4x128xi32, #tpu.memory_space<hbm>> -> memref<1x4x128xi32, #tpu.memory_space<hbm>>
      %dma_wait3A_552 = tpu.memref_squeeze %dma_wait3A_551 : memref<1x4x128xi32, #tpu.memory_space<hbm>> -> memref<4x128xi32, #tpu.memory_space<hbm>>
      tpu.wait_dma2 semaphore(%run_scoped3A : memref<!tpu.dma_semaphore, #tpu.memory_space<semaphore_mem>>) src(%dma_wait3A_552 : memref<4x128xi32, #tpu.memory_space<hbm>>) dst(%arg8 : memref<4x128xi32, #tpu.memory_space<vmem>>)
      tpu.yield
    }) : () -> ()
    "tpu.region"() ({
      %run_scoped3A = tpu.sem_alloc : memref<!tpu.dma_semaphore, #tpu.memory_space<semaphore_mem>>
      tpu.enqueue_dma source(%arg5 : memref<16xf32, #tpu.memory_space<hbm>>) target(%arg11 : memref<16xf32, #tpu.memory_space<vmem>>) target_semaphore(%run_scoped3A : memref<!tpu.dma_semaphore, #tpu.memory_space<semaphore_mem>>)
      tpu.wait_dma2 semaphore(%run_scoped3A : memref<!tpu.dma_semaphore, #tpu.memory_space<semaphore_mem>>) src(%arg5 : memref<16xf32, #tpu.memory_space<hbm>>) dst(%arg11 : memref<16xf32, #tpu.memory_space<vmem>>)
      tpu.yield
    }) : () -> ()
    %dma_start3A = arith.constant 0 : i32
    %dma_start3A_3 = tpu.memref_slice %arg2[%mul3A_2, %dma_start3A] : memref<16384x64xf32, #tpu.memory_space<hbm>> -> memref<512x64xf32, #tpu.memory_space<hbm>>
    %dma_start3A_4 = arith.constant 0 : i32
    %dma_start3A_5 = tpu.memref_slice %arg2[%mul3A_2, %dma_start3A_4] : memref<16384x64xf32, #tpu.memory_space<hbm>> -> memref<512x64xf32, #tpu.memory_space<hbm>>
    tpu.enqueue_dma source(%dma_start3A_5 : memref<512x64xf32, #tpu.memory_space<hbm>>) target(%arg9 : memref<512x64xf32, #tpu.memory_space<vmem>>) target_semaphore(%arg15 : memref<!tpu.dma_semaphore, #tpu.memory_space<semaphore_mem>>)
    %dma_start3A_6 = arith.constant 0 : i32
    %dma_start3A_7 = arith.constant 0 : i32
    %dma_start3A_8 = arith.constant 0 : i32
    %dma_start3A_9 = tpu.memref_slice %arg10[%dma_start3A_7, %dma_start3A_8] : memref<512x64xf32, #tpu.memory_space<vmem>> -> memref<128x64xf32, #tpu.memory_space<vmem>>
    %dma_start3A_10 = arith.constant 0 : i32
    %dma_start3A_11 = tpu.memref_slice %arg8[%dma_start3A_6, %dma_start3A_10] : memref<4x128xi32, #tpu.memory_space<vmem>> -> memref<1x128xi32, #tpu.memory_space<vmem>>
    %dma_start3A_12 = tpu.memref_squeeze %dma_start3A_11 : memref<1x128xi32, #tpu.memory_space<vmem>> -> memref<128xi32, #tpu.memory_space<vmem>>
    %dma_start3A_13 = arith.constant 0 : i32
    %dma_start3A_14 = arith.constant 0 : i32
    %dma_start3A_15 = tpu.memref_slice %arg4[%dma_start3A_13, %dma_start3A_14] : memref<100000x64xf32, #tpu.memory_space<hbm>> -> memref<100000x64xf32, #tpu.memory_space<hbm>>
    tpu.enqueue_indirect_dma source(%dma_start3A_15 : memref<100000x64xf32, #tpu.memory_space<hbm>>) target(%dma_start3A_9 : memref<128x64xf32, #tpu.memory_space<vmem>>) offsets(%dma_start3A_12 : memref<128xi32, #tpu.memory_space<vmem>>) semaphore(%arg15 : memref<!tpu.dma_semaphore, #tpu.memory_space<semaphore_mem>>)
    %dma_start3A_16 = arith.constant 1 : i32
    %dma_start3A_17 = arith.constant 128 : i32
    %dma_start3A_18 = arith.constant 0 : i32
    %dma_start3A_19 = tpu.memref_slice %arg10[%dma_start3A_17, %dma_start3A_18] : memref<512x64xf32, #tpu.memory_space<vmem>> -> memref<128x64xf32, #tpu.memory_space<vmem>>
    %dma_start3A_20 = arith.constant 0 : i32
    %dma_start3A_21 = tpu.memref_slice %arg8[%dma_start3A_16, %dma_start3A_20] : memref<4x128xi32, #tpu.memory_space<vmem>> -> memref<1x128xi32, #tpu.memory_space<vmem>>
    %dma_start3A_22 = tpu.memref_squeeze %dma_start3A_21 : memref<1x128xi32, #tpu.memory_space<vmem>> -> memref<128xi32, #tpu.memory_space<vmem>>
    %dma_start3A_23 = arith.constant 0 : i32
    %dma_start3A_24 = arith.constant 0 : i32
    %dma_start3A_25 = tpu.memref_slice %arg4[%dma_start3A_23, %dma_start3A_24] : memref<100000x64xf32, #tpu.memory_space<hbm>> -> memref<100000x64xf32, #tpu.memory_space<hbm>>
    tpu.enqueue_indirect_dma source(%dma_start3A_25 : memref<100000x64xf32, #tpu.memory_space<hbm>>) target(%dma_start3A_19 : memref<128x64xf32, #tpu.memory_space<vmem>>) offsets(%dma_start3A_22 : memref<128xi32, #tpu.memory_space<vmem>>) semaphore(%arg15 : memref<!tpu.dma_semaphore, #tpu.memory_space<semaphore_mem>>)
    %dma_start3A_26 = arith.constant 2 : i32
    %dma_start3A_27 = arith.constant 256 : i32
    %dma_start3A_28 = arith.constant 0 : i32
    %dma_start3A_29 = tpu.memref_slice %arg10[%dma_start3A_27, %dma_start3A_28] : memref<512x64xf32, #tpu.memory_space<vmem>> -> memref<128x64xf32, #tpu.memory_space<vmem>>
    %dma_start3A_30 = arith.constant 0 : i32
    %dma_start3A_31 = tpu.memref_slice %arg8[%dma_start3A_26, %dma_start3A_30] : memref<4x128xi32, #tpu.memory_space<vmem>> -> memref<1x128xi32, #tpu.memory_space<vmem>>
    %dma_start3A_32 = tpu.memref_squeeze %dma_start3A_31 : memref<1x128xi32, #tpu.memory_space<vmem>> -> memref<128xi32, #tpu.memory_space<vmem>>
    %dma_start3A_33 = arith.constant 0 : i32
    %dma_start3A_34 = arith.constant 0 : i32
    %dma_start3A_35 = tpu.memref_slice %arg4[%dma_start3A_33, %dma_start3A_34] : memref<100000x64xf32, #tpu.memory_space<hbm>> -> memref<100000x64xf32, #tpu.memory_space<hbm>>
    tpu.enqueue_indirect_dma source(%dma_start3A_35 : memref<100000x64xf32, #tpu.memory_space<hbm>>) target(%dma_start3A_29 : memref<128x64xf32, #tpu.memory_space<vmem>>) offsets(%dma_start3A_32 : memref<128xi32, #tpu.memory_space<vmem>>) semaphore(%arg15 : memref<!tpu.dma_semaphore, #tpu.memory_space<semaphore_mem>>)
    %dma_start3A_36 = arith.constant 3 : i32
    %dma_start3A_37 = arith.constant 384 : i32
    %dma_start3A_38 = arith.constant 0 : i32
    %dma_start3A_39 = tpu.memref_slice %arg10[%dma_start3A_37, %dma_start3A_38] : memref<512x64xf32, #tpu.memory_space<vmem>> -> memref<128x64xf32, #tpu.memory_space<vmem>>
    %dma_start3A_40 = arith.constant 0 : i32
    %dma_start3A_41 = tpu.memref_slice %arg8[%dma_start3A_36, %dma_start3A_40] : memref<4x128xi32, #tpu.memory_space<vmem>> -> memref<1x128xi32, #tpu.memory_space<vmem>>
    %dma_start3A_42 = tpu.memref_squeeze %dma_start3A_41 : memref<1x128xi32, #tpu.memory_space<vmem>> -> memref<128xi32, #tpu.memory_space<vmem>>
    %dma_start3A_43 = arith.constant 0 : i32
    %dma_start3A_44 = arith.constant 0 : i32
    %dma_start3A_45 = tpu.memref_slice %arg4[%dma_start3A_43, %dma_start3A_44] : memref<100000x64xf32, #tpu.memory_space<hbm>> -> memref<100000x64xf32, #tpu.memory_space<hbm>>
    tpu.enqueue_indirect_dma source(%dma_start3A_45 : memref<100000x64xf32, #tpu.memory_space<hbm>>) target(%dma_start3A_39 : memref<128x64xf32, #tpu.memory_space<vmem>>) offsets(%dma_start3A_42 : memref<128xi32, #tpu.memory_space<vmem>>) semaphore(%arg15 : memref<!tpu.dma_semaphore, #tpu.memory_space<semaphore_mem>>)
    %mul3A_46 = arith.constant 3128 : i32
    %mul3A_47 = arith.muli %add3A, %mul3A_46 : i32
    %min3A = arith.constant 96872 : i32
    %min3A_48 = arith.minsi %mul3A_47, %min3A : i32
    %add3A_49 = arith.constant 0 : i32
    %add3A_50 = arith.addi %min3A_48, %add3A_49 : i32
    %dma_start3A_51 = arith.constant 0 : i32
    %dma_start3A_52 = arith.constant 0 : i32
    %dma_start3A_53 = tpu.memref_slice %arg13[%dma_start3A_51, %dma_start3A_52] : memref<392x64xf32, #tpu.memory_space<vmem>> -> memref<392x64xf32, #tpu.memory_space<vmem>>
    %dma_start3A_54 = arith.constant 0 : i32
    %dma_start3A_55 = tpu.memref_slice %arg4[%add3A_50, %dma_start3A_54] : memref<100000x64xf32, #tpu.memory_space<hbm>> -> memref<392x64xf32, #tpu.memory_space<hbm>>
    %dma_start3A_56 = arith.constant 0 : i32
    %dma_start3A_57 = arith.constant 0 : i32
    %dma_start3A_58 = tpu.memref_slice %arg13[%dma_start3A_56, %dma_start3A_57] : memref<392x64xf32, #tpu.memory_space<vmem>> -> memref<392x64xf32, #tpu.memory_space<vmem>>
    %dma_start3A_59 = arith.constant 0 : i32
    %dma_start3A_60 = tpu.memref_slice %arg4[%add3A_50, %dma_start3A_59] : memref<100000x64xf32, #tpu.memory_space<hbm>> -> memref<392x64xf32, #tpu.memory_space<hbm>>
    tpu.enqueue_dma source(%dma_start3A_60 : memref<392x64xf32, #tpu.memory_space<hbm>>) target(%dma_start3A_58 : memref<392x64xf32, #tpu.memory_space<vmem>>) target_semaphore(%arg16 : memref<!tpu.dma_semaphore, #tpu.memory_space<semaphore_mem>>)
    %add3A_61 = arith.constant 392 : i32
    %add3A_62 = arith.addi %min3A_48, %add3A_61 : i32
    %dma_start3A_63 = arith.constant 0 : i32
    %dma_start3A_64 = arith.constant 0 : i32
    %dma_start3A_65 = tpu.memref_slice %arg14[%dma_start3A_63, %dma_start3A_64] : memref<392x64xf32, #tpu.memory_space<vmem>> -> memref<392x64xf32, #tpu.memory_space<vmem>>
    %dma_start3A_66 = arith.constant 0 : i32
    %dma_start3A_67 = tpu.memref_slice %arg4[%add3A_62, %dma_start3A_66] : memref<100000x64xf32, #tpu.memory_space<hbm>> -> memref<392x64xf32, #tpu.memory_space<hbm>>
    %dma_start3A_68 = arith.constant 0 : i32
    %dma_start3A_69 = arith.constant 0 : i32
    %dma_start3A_70 = tpu.memref_slice %arg14[%dma_start3A_68, %dma_start3A_69] : memref<392x64xf32, #tpu.memory_space<vmem>> -> memref<392x64xf32, #tpu.memory_space<vmem>>
    %dma_start3A_71 = arith.constant 0 : i32
    %dma_start3A_72 = tpu.memref_slice %arg4[%add3A_62, %dma_start3A_71] : memref<100000x64xf32, #tpu.memory_space<hbm>> -> memref<392x64xf32, #tpu.memory_space<hbm>>
    tpu.enqueue_dma source(%dma_start3A_72 : memref<392x64xf32, #tpu.memory_space<hbm>>) target(%dma_start3A_70 : memref<392x64xf32, #tpu.memory_space<vmem>>) target_semaphore(%arg16 : memref<!tpu.dma_semaphore, #tpu.memory_space<semaphore_mem>>)
    %dma_wait3A = arith.constant 0 : i32
    %dma_wait3A_73 = arith.constant 0 : i32
    %dma_wait3A_74 = tpu.memref_slice %arg13[%dma_wait3A, %dma_wait3A_73] : memref<392x64xf32, #tpu.memory_space<vmem>> -> memref<392x64xf32, #tpu.memory_space<vmem>>
    %dma_wait3A_75 = arith.constant 0 : i32
    %dma_wait3A_76 = tpu.memref_slice %arg4[%add3A_50, %dma_wait3A_75] : memref<100000x64xf32, #tpu.memory_space<hbm>> -> memref<392x64xf32, #tpu.memory_space<hbm>>
    %dma_wait3A_77 = arith.constant 0 : i32
    %dma_wait3A_78 = arith.constant 0 : i32
    %dma_wait3A_79 = tpu.memref_slice %arg13[%dma_wait3A_77, %dma_wait3A_78] : memref<392x64xf32, #tpu.memory_space<vmem>> -> memref<392x64xf32, #tpu.memory_space<vmem>>
    %dma_wait3A_80 = arith.constant 0 : i32
    %dma_wait3A_81 = tpu.memref_slice %arg4[%add3A_50, %dma_wait3A_80] : memref<100000x64xf32, #tpu.memory_space<hbm>> -> memref<392x64xf32, #tpu.memory_space<hbm>>
    tpu.wait_dma2 semaphore(%arg16 : memref<!tpu.dma_semaphore, #tpu.memory_space<semaphore_mem>>) src(%dma_wait3A_81 : memref<392x64xf32, #tpu.memory_space<hbm>>) dst(%dma_wait3A_79 : memref<392x64xf32, #tpu.memory_space<vmem>>)
    %add3A_82 = arith.constant 0 : i32
    %add3A_83 = arith.addi %min3A_48, %add3A_82 : i32
    %dma_start3A_84 = arith.constant 0 : i32
    %dma_start3A_85 = arith.constant 0 : i32
    %dma_start3A_86 = tpu.memref_slice %arg13[%dma_start3A_84, %dma_start3A_85] : memref<392x64xf32, #tpu.memory_space<vmem>> -> memref<392x64xf32, #tpu.memory_space<vmem>>
    %dma_start3A_87 = arith.constant 0 : i32
    %dma_start3A_88 = tpu.memref_slice %arg7[%add3A_83, %dma_start3A_87] : memref<100000x64xf32, #tpu.memory_space<hbm>> -> memref<392x64xf32, #tpu.memory_space<hbm>>
    %dma_start3A_89 = arith.constant 0 : i32
    %dma_start3A_90 = tpu.memref_slice %arg7[%add3A_83, %dma_start3A_89] : memref<100000x64xf32, #tpu.memory_space<hbm>> -> memref<392x64xf32, #tpu.memory_space<hbm>>
    %dma_start3A_91 = arith.constant 0 : i32
    %dma_start3A_92 = arith.constant 0 : i32
    %dma_start3A_93 = tpu.memref_slice %arg13[%dma_start3A_91, %dma_start3A_92] : memref<392x64xf32, #tpu.memory_space<vmem>> -> memref<392x64xf32, #tpu.memory_space<vmem>>
    tpu.enqueue_dma source(%dma_start3A_93 : memref<392x64xf32, #tpu.memory_space<vmem>>) target(%dma_start3A_90 : memref<392x64xf32, #tpu.memory_space<hbm>>) target_semaphore(%arg17 : memref<!tpu.dma_semaphore, #tpu.memory_space<semaphore_mem>>)
    %dma_wait3A_94 = arith.constant 0 : i32
    %dma_wait3A_95 = arith.constant 0 : i32
    %dma_wait3A_96 = tpu.memref_slice %arg13[%dma_wait3A_94, %dma_wait3A_95] : memref<392x64xf32, #tpu.memory_space<vmem>> -> memref<392x64xf32, #tpu.memory_space<vmem>>
    %dma_wait3A_97 = arith.constant 0 : i32
    %dma_wait3A_98 = tpu.memref_slice %arg7[%add3A_83, %dma_wait3A_97] : memref<100000x64xf32, #tpu.memory_space<hbm>> -> memref<392x64xf32, #tpu.memory_space<hbm>>
    %dma_wait3A_99 = arith.constant 0 : i32
    %dma_wait3A_100 = tpu.memref_slice %arg7[%add3A_83, %dma_wait3A_99] : memref<100000x64xf32, #tpu.memory_space<hbm>> -> memref<392x64xf32, #tpu.memory_space<hbm>>
    %dma_wait3A_101 = arith.constant 0 : i32
    %dma_wait3A_102 = arith.constant 0 : i32
    %dma_wait3A_103 = tpu.memref_slice %arg13[%dma_wait3A_101, %dma_wait3A_102] : memref<392x64xf32, #tpu.memory_space<vmem>> -> memref<392x64xf32, #tpu.memory_space<vmem>>
    tpu.wait_dma2 semaphore(%arg17 : memref<!tpu.dma_semaphore, #tpu.memory_space<semaphore_mem>>) src(%dma_wait3A_103 : memref<392x64xf32, #tpu.memory_space<vmem>>) dst(%dma_wait3A_100 : memref<392x64xf32, #tpu.memory_space<hbm>>)
    %add3A_104 = arith.constant 784 : i32
    %add3A_105 = arith.addi %min3A_48, %add3A_104 : i32
    %dma_start3A_106 = arith.constant 0 : i32
    %dma_start3A_107 = arith.constant 0 : i32
    %dma_start3A_108 = tpu.memref_slice %arg13[%dma_start3A_106, %dma_start3A_107] : memref<392x64xf32, #tpu.memory_space<vmem>> -> memref<392x64xf32, #tpu.memory_space<vmem>>
    %dma_start3A_109 = arith.constant 0 : i32
    %dma_start3A_110 = tpu.memref_slice %arg4[%add3A_105, %dma_start3A_109] : memref<100000x64xf32, #tpu.memory_space<hbm>> -> memref<392x64xf32, #tpu.memory_space<hbm>>
    %dma_start3A_111 = arith.constant 0 : i32
    %dma_start3A_112 = arith.constant 0 : i32
    %dma_start3A_113 = tpu.memref_slice %arg13[%dma_start3A_111, %dma_start3A_112] : memref<392x64xf32, #tpu.memory_space<vmem>> -> memref<392x64xf32, #tpu.memory_space<vmem>>
    %dma_start3A_114 = arith.constant 0 : i32
    %dma_start3A_115 = tpu.memref_slice %arg4[%add3A_105, %dma_start3A_114] : memref<100000x64xf32, #tpu.memory_space<hbm>> -> memref<392x64xf32, #tpu.memory_space<hbm>>
    tpu.enqueue_dma source(%dma_start3A_115 : memref<392x64xf32, #tpu.memory_space<hbm>>) target(%dma_start3A_113 : memref<392x64xf32, #tpu.memory_space<vmem>>) target_semaphore(%arg16 : memref<!tpu.dma_semaphore, #tpu.memory_space<semaphore_mem>>)
    %dma_wait3A_116 = arith.constant 0 : i32
    %dma_wait3A_117 = arith.constant 0 : i32
    %dma_wait3A_118 = tpu.memref_slice %arg14[%dma_wait3A_116, %dma_wait3A_117] : memref<392x64xf32, #tpu.memory_space<vmem>> -> memref<392x64xf32, #tpu.memory_space<vmem>>
    %dma_wait3A_119 = arith.constant 0 : i32
    %dma_wait3A_120 = tpu.memref_slice %arg4[%add3A_62, %dma_wait3A_119] : memref<100000x64xf32, #tpu.memory_space<hbm>> -> memref<392x64xf32, #tpu.memory_space<hbm>>
    %dma_wait3A_121 = arith.constant 0 : i32
    %dma_wait3A_122 = arith.constant 0 : i32
    %dma_wait3A_123 = tpu.memref_slice %arg14[%dma_wait3A_121, %dma_wait3A_122] : memref<392x64xf32, #tpu.memory_space<vmem>> -> memref<392x64xf32, #tpu.memory_space<vmem>>
    %dma_wait3A_124 = arith.constant 0 : i32
    %dma_wait3A_125 = tpu.memref_slice %arg4[%add3A_62, %dma_wait3A_124] : memref<100000x64xf32, #tpu.memory_space<hbm>> -> memref<392x64xf32, #tpu.memory_space<hbm>>
    tpu.wait_dma2 semaphore(%arg16 : memref<!tpu.dma_semaphore, #tpu.memory_space<semaphore_mem>>) src(%dma_wait3A_125 : memref<392x64xf32, #tpu.memory_space<hbm>>) dst(%dma_wait3A_123 : memref<392x64xf32, #tpu.memory_space<vmem>>)
    %add3A_126 = arith.constant 392 : i32
    %add3A_127 = arith.addi %min3A_48, %add3A_126 : i32
    %dma_start3A_128 = arith.constant 0 : i32
    %dma_start3A_129 = arith.constant 0 : i32
    %dma_start3A_130 = tpu.memref_slice %arg14[%dma_start3A_128, %dma_start3A_129] : memref<392x64xf32, #tpu.memory_space<vmem>> -> memref<392x64xf32, #tpu.memory_space<vmem>>
    %dma_start3A_131 = arith.constant 0 : i32
    %dma_start3A_132 = tpu.memref_slice %arg7[%add3A_127, %dma_start3A_131] : memref<100000x64xf32, #tpu.memory_space<hbm>> -> memref<392x64xf32, #tpu.memory_space<hbm>>
    %dma_start3A_133 = arith.constant 0 : i32
    %dma_start3A_134 = tpu.memref_slice %arg7[%add3A_127, %dma_start3A_133] : memref<100000x64xf32, #tpu.memory_space<hbm>> -> memref<392x64xf32, #tpu.memory_space<hbm>>
    %dma_start3A_135 = arith.constant 0 : i32
    %dma_start3A_136 = arith.constant 0 : i32
    %dma_start3A_137 = tpu.memref_slice %arg14[%dma_start3A_135, %dma_start3A_136] : memref<392x64xf32, #tpu.memory_space<vmem>> -> memref<392x64xf32, #tpu.memory_space<vmem>>
    tpu.enqueue_dma source(%dma_start3A_137 : memref<392x64xf32, #tpu.memory_space<vmem>>) target(%dma_start3A_134 : memref<392x64xf32, #tpu.memory_space<hbm>>) target_semaphore(%arg17 : memref<!tpu.dma_semaphore, #tpu.memory_space<semaphore_mem>>)
    %dma_wait3A_138 = arith.constant 0 : i32
    %dma_wait3A_139 = arith.constant 0 : i32
    %dma_wait3A_140 = tpu.memref_slice %arg14[%dma_wait3A_138, %dma_wait3A_139] : memref<392x64xf32, #tpu.memory_space<vmem>> -> memref<392x64xf32, #tpu.memory_space<vmem>>
    %dma_wait3A_141 = arith.constant 0 : i32
    %dma_wait3A_142 = tpu.memref_slice %arg7[%add3A_127, %dma_wait3A_141] : memref<100000x64xf32, #tpu.memory_space<hbm>> -> memref<392x64xf32, #tpu.memory_space<hbm>>
    %dma_wait3A_143 = arith.constant 0 : i32
    %dma_wait3A_144 = tpu.memref_slice %arg7[%add3A_127, %dma_wait3A_143] : memref<100000x64xf32, #tpu.memory_space<hbm>> -> memref<392x64xf32, #tpu.memory_space<hbm>>
    %dma_wait3A_145 = arith.constant 0 : i32
    %dma_wait3A_146 = arith.constant 0 : i32
    %dma_wait3A_147 = tpu.memref_slice %arg14[%dma_wait3A_145, %dma_wait3A_146] : memref<392x64xf32, #tpu.memory_space<vmem>> -> memref<392x64xf32, #tpu.memory_space<vmem>>
    tpu.wait_dma2 semaphore(%arg17 : memref<!tpu.dma_semaphore, #tpu.memory_space<semaphore_mem>>) src(%dma_wait3A_147 : memref<392x64xf32, #tpu.memory_space<vmem>>) dst(%dma_wait3A_144 : memref<392x64xf32, #tpu.memory_space<hbm>>)
    %add3A_148 = arith.constant 1176 : i32
    %add3A_149 = arith.addi %min3A_48, %add3A_148 : i32
    %dma_start3A_150 = arith.constant 0 : i32
    %dma_start3A_151 = arith.constant 0 : i32
    %dma_start3A_152 = tpu.memref_slice %arg14[%dma_start3A_150, %dma_start3A_151] : memref<392x64xf32, #tpu.memory_space<vmem>> -> memref<392x64xf32, #tpu.memory_space<vmem>>
    %dma_start3A_153 = arith.constant 0 : i32
    %dma_start3A_154 = tpu.memref_slice %arg4[%add3A_149, %dma_start3A_153] : memref<100000x64xf32, #tpu.memory_space<hbm>> -> memref<392x64xf32, #tpu.memory_space<hbm>>
    %dma_start3A_155 = arith.constant 0 : i32
    %dma_start3A_156 = arith.constant 0 : i32
    %dma_start3A_157 = tpu.memref_slice %arg14[%dma_start3A_155, %dma_start3A_156] : memref<392x64xf32, #tpu.memory_space<vmem>> -> memref<392x64xf32, #tpu.memory_space<vmem>>
    %dma_start3A_158 = arith.constant 0 : i32
    %dma_start3A_159 = tpu.memref_slice %arg4[%add3A_149, %dma_start3A_158] : memref<100000x64xf32, #tpu.memory_space<hbm>> -> memref<392x64xf32, #tpu.memory_space<hbm>>
    tpu.enqueue_dma source(%dma_start3A_159 : memref<392x64xf32, #tpu.memory_space<hbm>>) target(%dma_start3A_157 : memref<392x64xf32, #tpu.memory_space<vmem>>) target_semaphore(%arg16 : memref<!tpu.dma_semaphore, #tpu.memory_space<semaphore_mem>>)
    %dma_wait3A_160 = arith.constant 0 : i32
    %dma_wait3A_161 = arith.constant 0 : i32
    %dma_wait3A_162 = tpu.memref_slice %arg13[%dma_wait3A_160, %dma_wait3A_161] : memref<392x64xf32, #tpu.memory_space<vmem>> -> memref<392x64xf32, #tpu.memory_space<vmem>>
    %dma_wait3A_163 = arith.constant 0 : i32
    %dma_wait3A_164 = tpu.memref_slice %arg4[%add3A_105, %dma_wait3A_163] : memref<100000x64xf32, #tpu.memory_space<hbm>> -> memref<392x64xf32, #tpu.memory_space<hbm>>
    %dma_wait3A_165 = arith.constant 0 : i32
    %dma_wait3A_166 = arith.constant 0 : i32
    %dma_wait3A_167 = tpu.memref_slice %arg13[%dma_wait3A_165, %dma_wait3A_166] : memref<392x64xf32, #tpu.memory_space<vmem>> -> memref<392x64xf32, #tpu.memory_space<vmem>>
    %dma_wait3A_168 = arith.constant 0 : i32
    %dma_wait3A_169 = tpu.memref_slice %arg4[%add3A_105, %dma_wait3A_168] : memref<100000x64xf32, #tpu.memory_space<hbm>> -> memref<392x64xf32, #tpu.memory_space<hbm>>
    tpu.wait_dma2 semaphore(%arg16 : memref<!tpu.dma_semaphore, #tpu.memory_space<semaphore_mem>>) src(%dma_wait3A_169 : memref<392x64xf32, #tpu.memory_space<hbm>>) dst(%dma_wait3A_167 : memref<392x64xf32, #tpu.memory_space<vmem>>)
    %add3A_170 = arith.constant 784 : i32
    %add3A_171 = arith.addi %min3A_48, %add3A_170 : i32
    %dma_start3A_172 = arith.constant 0 : i32
    %dma_start3A_173 = arith.constant 0 : i32
    %dma_start3A_174 = tpu.memref_slice %arg13[%dma_start3A_172, %dma_start3A_173] : memref<392x64xf32, #tpu.memory_space<vmem>> -> memref<392x64xf32, #tpu.memory_space<vmem>>
    %dma_start3A_175 = arith.constant 0 : i32
    %dma_start3A_176 = tpu.memref_slice %arg7[%add3A_171, %dma_start3A_175] : memref<100000x64xf32, #tpu.memory_space<hbm>> -> memref<392x64xf32, #tpu.memory_space<hbm>>
    %dma_start3A_177 = arith.constant 0 : i32
    %dma_start3A_178 = tpu.memref_slice %arg7[%add3A_171, %dma_start3A_177] : memref<100000x64xf32, #tpu.memory_space<hbm>> -> memref<392x64xf32, #tpu.memory_space<hbm>>
    %dma_start3A_179 = arith.constant 0 : i32
    %dma_start3A_180 = arith.constant 0 : i32
    %dma_start3A_181 = tpu.memref_slice %arg13[%dma_start3A_179, %dma_start3A_180] : memref<392x64xf32, #tpu.memory_space<vmem>> -> memref<392x64xf32, #tpu.memory_space<vmem>>
    tpu.enqueue_dma source(%dma_start3A_181 : memref<392x64xf32, #tpu.memory_space<vmem>>) target(%dma_start3A_178 : memref<392x64xf32, #tpu.memory_space<hbm>>) target_semaphore(%arg17 : memref<!tpu.dma_semaphore, #tpu.memory_space<semaphore_mem>>)
    %dma_wait3A_182 = arith.constant 0 : i32
    %dma_wait3A_183 = arith.constant 0 : i32
    %dma_wait3A_184 = tpu.memref_slice %arg13[%dma_wait3A_182, %dma_wait3A_183] : memref<392x64xf32, #tpu.memory_space<vmem>> -> memref<392x64xf32, #tpu.memory_space<vmem>>
    %dma_wait3A_185 = arith.constant 0 : i32
    %dma_wait3A_186 = tpu.memref_slice %arg7[%add3A_171, %dma_wait3A_185] : memref<100000x64xf32, #tpu.memory_space<hbm>> -> memref<392x64xf32, #tpu.memory_space<hbm>>
    %dma_wait3A_187 = arith.constant 0 : i32
    %dma_wait3A_188 = tpu.memref_slice %arg7[%add3A_171, %dma_wait3A_187] : memref<100000x64xf32, #tpu.memory_space<hbm>> -> memref<392x64xf32, #tpu.memory_space<hbm>>
    %dma_wait3A_189 = arith.constant 0 : i32
    %dma_wait3A_190 = arith.constant 0 : i32
    %dma_wait3A_191 = tpu.memref_slice %arg13[%dma_wait3A_189, %dma_wait3A_190] : memref<392x64xf32, #tpu.memory_space<vmem>> -> memref<392x64xf32, #tpu.memory_space<vmem>>
    tpu.wait_dma2 semaphore(%arg17 : memref<!tpu.dma_semaphore, #tpu.memory_space<semaphore_mem>>) src(%dma_wait3A_191 : memref<392x64xf32, #tpu.memory_space<vmem>>) dst(%dma_wait3A_188 : memref<392x64xf32, #tpu.memory_space<hbm>>)
    %add3A_192 = arith.constant 1568 : i32
    %add3A_193 = arith.addi %min3A_48, %add3A_192 : i32
    %dma_start3A_194 = arith.constant 0 : i32
    %dma_start3A_195 = arith.constant 0 : i32
    %dma_start3A_196 = tpu.memref_slice %arg13[%dma_start3A_194, %dma_start3A_195] : memref<392x64xf32, #tpu.memory_space<vmem>> -> memref<392x64xf32, #tpu.memory_space<vmem>>
    %dma_start3A_197 = arith.constant 0 : i32
    %dma_start3A_198 = tpu.memref_slice %arg4[%add3A_193, %dma_start3A_197] : memref<100000x64xf32, #tpu.memory_space<hbm>> -> memref<392x64xf32, #tpu.memory_space<hbm>>
    %dma_start3A_199 = arith.constant 0 : i32
    %dma_start3A_200 = arith.constant 0 : i32
    %dma_start3A_201 = tpu.memref_slice %arg13[%dma_start3A_199, %dma_start3A_200] : memref<392x64xf32, #tpu.memory_space<vmem>> -> memref<392x64xf32, #tpu.memory_space<vmem>>
    %dma_start3A_202 = arith.constant 0 : i32
    %dma_start3A_203 = tpu.memref_slice %arg4[%add3A_193, %dma_start3A_202] : memref<100000x64xf32, #tpu.memory_space<hbm>> -> memref<392x64xf32, #tpu.memory_space<hbm>>
    tpu.enqueue_dma source(%dma_start3A_203 : memref<392x64xf32, #tpu.memory_space<hbm>>) target(%dma_start3A_201 : memref<392x64xf32, #tpu.memory_space<vmem>>) target_semaphore(%arg16 : memref<!tpu.dma_semaphore, #tpu.memory_space<semaphore_mem>>)
    %dma_wait3A_204 = arith.constant 0 : i32
    %dma_wait3A_205 = arith.constant 0 : i32
    %dma_wait3A_206 = tpu.memref_slice %arg14[%dma_wait3A_204, %dma_wait3A_205] : memref<392x64xf32, #tpu.memory_space<vmem>> -> memref<392x64xf32, #tpu.memory_space<vmem>>
    %dma_wait3A_207 = arith.constant 0 : i32
    %dma_wait3A_208 = tpu.memref_slice %arg4[%add3A_149, %dma_wait3A_207] : memref<100000x64xf32, #tpu.memory_space<hbm>> -> memref<392x64xf32, #tpu.memory_space<hbm>>
    %dma_wait3A_209 = arith.constant 0 : i32
    %dma_wait3A_210 = arith.constant 0 : i32
    %dma_wait3A_211 = tpu.memref_slice %arg14[%dma_wait3A_209, %dma_wait3A_210] : memref<392x64xf32, #tpu.memory_space<vmem>> -> memref<392x64xf32, #tpu.memory_space<vmem>>
    %dma_wait3A_212 = arith.constant 0 : i32
    %dma_wait3A_213 = tpu.memref_slice %arg4[%add3A_149, %dma_wait3A_212] : memref<100000x64xf32, #tpu.memory_space<hbm>> -> memref<392x64xf32, #tpu.memory_space<hbm>>
    tpu.wait_dma2 semaphore(%arg16 : memref<!tpu.dma_semaphore, #tpu.memory_space<semaphore_mem>>) src(%dma_wait3A_213 : memref<392x64xf32, #tpu.memory_space<hbm>>) dst(%dma_wait3A_211 : memref<392x64xf32, #tpu.memory_space<vmem>>)
    %add3A_214 = arith.constant 1176 : i32
    %add3A_215 = arith.addi %min3A_48, %add3A_214 : i32
    %dma_start3A_216 = arith.constant 0 : i32
    %dma_start3A_217 = arith.constant 0 : i32
    %dma_start3A_218 = tpu.memref_slice %arg14[%dma_start3A_216, %dma_start3A_217] : memref<392x64xf32, #tpu.memory_space<vmem>> -> memref<392x64xf32, #tpu.memory_space<vmem>>
    %dma_start3A_219 = arith.constant 0 : i32
    %dma_start3A_220 = tpu.memref_slice %arg7[%add3A_215, %dma_start3A_219] : memref<100000x64xf32, #tpu.memory_space<hbm>> -> memref<392x64xf32, #tpu.memory_space<hbm>>
    %dma_start3A_221 = arith.constant 0 : i32
    %dma_start3A_222 = tpu.memref_slice %arg7[%add3A_215, %dma_start3A_221] : memref<100000x64xf32, #tpu.memory_space<hbm>> -> memref<392x64xf32, #tpu.memory_space<hbm>>
    %dma_start3A_223 = arith.constant 0 : i32
    %dma_start3A_224 = arith.constant 0 : i32
    %dma_start3A_225 = tpu.memref_slice %arg14[%dma_start3A_223, %dma_start3A_224] : memref<392x64xf32, #tpu.memory_space<vmem>> -> memref<392x64xf32, #tpu.memory_space<vmem>>
    tpu.enqueue_dma source(%dma_start3A_225 : memref<392x64xf32, #tpu.memory_space<vmem>>) target(%dma_start3A_222 : memref<392x64xf32, #tpu.memory_space<hbm>>) target_semaphore(%arg17 : memref<!tpu.dma_semaphore, #tpu.memory_space<semaphore_mem>>)
    %dma_wait3A_226 = arith.constant 0 : i32
    %dma_wait3A_227 = arith.constant 0 : i32
    %dma_wait3A_228 = tpu.memref_slice %arg14[%dma_wait3A_226, %dma_wait3A_227] : memref<392x64xf32, #tpu.memory_space<vmem>> -> memref<392x64xf32, #tpu.memory_space<vmem>>
    %dma_wait3A_229 = arith.constant 0 : i32
    %dma_wait3A_230 = tpu.memref_slice %arg7[%add3A_215, %dma_wait3A_229] : memref<100000x64xf32, #tpu.memory_space<hbm>> -> memref<392x64xf32, #tpu.memory_space<hbm>>
    %dma_wait3A_231 = arith.constant 0 : i32
    %dma_wait3A_232 = tpu.memref_slice %arg7[%add3A_215, %dma_wait3A_231] : memref<100000x64xf32, #tpu.memory_space<hbm>> -> memref<392x64xf32, #tpu.memory_space<hbm>>
    %dma_wait3A_233 = arith.constant 0 : i32
    %dma_wait3A_234 = arith.constant 0 : i32
    %dma_wait3A_235 = tpu.memref_slice %arg14[%dma_wait3A_233, %dma_wait3A_234] : memref<392x64xf32, #tpu.memory_space<vmem>> -> memref<392x64xf32, #tpu.memory_space<vmem>>
    tpu.wait_dma2 semaphore(%arg17 : memref<!tpu.dma_semaphore, #tpu.memory_space<semaphore_mem>>) src(%dma_wait3A_235 : memref<392x64xf32, #tpu.memory_space<vmem>>) dst(%dma_wait3A_232 : memref<392x64xf32, #tpu.memory_space<hbm>>)
    %add3A_236 = arith.constant 1960 : i32
    %add3A_237 = arith.addi %min3A_48, %add3A_236 : i32
    %dma_start3A_238 = arith.constant 0 : i32
    %dma_start3A_239 = arith.constant 0 : i32
    %dma_start3A_240 = tpu.memref_slice %arg14[%dma_start3A_238, %dma_start3A_239] : memref<392x64xf32, #tpu.memory_space<vmem>> -> memref<392x64xf32, #tpu.memory_space<vmem>>
    %dma_start3A_241 = arith.constant 0 : i32
    %dma_start3A_242 = tpu.memref_slice %arg4[%add3A_237, %dma_start3A_241] : memref<100000x64xf32, #tpu.memory_space<hbm>> -> memref<392x64xf32, #tpu.memory_space<hbm>>
    %dma_start3A_243 = arith.constant 0 : i32
    %dma_start3A_244 = arith.constant 0 : i32
    %dma_start3A_245 = tpu.memref_slice %arg14[%dma_start3A_243, %dma_start3A_244] : memref<392x64xf32, #tpu.memory_space<vmem>> -> memref<392x64xf32, #tpu.memory_space<vmem>>
    %dma_start3A_246 = arith.constant 0 : i32
    %dma_start3A_247 = tpu.memref_slice %arg4[%add3A_237, %dma_start3A_246] : memref<100000x64xf32, #tpu.memory_space<hbm>> -> memref<392x64xf32, #tpu.memory_space<hbm>>
    tpu.enqueue_dma source(%dma_start3A_247 : memref<392x64xf32, #tpu.memory_space<hbm>>) target(%dma_start3A_245 : memref<392x64xf32, #tpu.memory_space<vmem>>) target_semaphore(%arg16 : memref<!tpu.dma_semaphore, #tpu.memory_space<semaphore_mem>>)
    %dma_wait3A_248 = arith.constant 0 : i32
    %dma_wait3A_249 = arith.constant 0 : i32
    %dma_wait3A_250 = tpu.memref_slice %arg13[%dma_wait3A_248, %dma_wait3A_249] : memref<392x64xf32, #tpu.memory_space<vmem>> -> memref<392x64xf32, #tpu.memory_space<vmem>>
    %dma_wait3A_251 = arith.constant 0 : i32
    %dma_wait3A_252 = tpu.memref_slice %arg4[%add3A_193, %dma_wait3A_251] : memref<100000x64xf32, #tpu.memory_space<hbm>> -> memref<392x64xf32, #tpu.memory_space<hbm>>
    %dma_wait3A_253 = arith.constant 0 : i32
    %dma_wait3A_254 = arith.constant 0 : i32
    %dma_wait3A_255 = tpu.memref_slice %arg13[%dma_wait3A_253, %dma_wait3A_254] : memref<392x64xf32, #tpu.memory_space<vmem>> -> memref<392x64xf32, #tpu.memory_space<vmem>>
    %dma_wait3A_256 = arith.constant 0 : i32
    %dma_wait3A_257 = tpu.memref_slice %arg4[%add3A_193, %dma_wait3A_256] : memref<100000x64xf32, #tpu.memory_space<hbm>> -> memref<392x64xf32, #tpu.memory_space<hbm>>
    tpu.wait_dma2 semaphore(%arg16 : memref<!tpu.dma_semaphore, #tpu.memory_space<semaphore_mem>>) src(%dma_wait3A_257 : memref<392x64xf32, #tpu.memory_space<hbm>>) dst(%dma_wait3A_255 : memref<392x64xf32, #tpu.memory_space<vmem>>)
    %add3A_258 = arith.constant 1568 : i32
    %add3A_259 = arith.addi %min3A_48, %add3A_258 : i32
    %dma_start3A_260 = arith.constant 0 : i32
    %dma_start3A_261 = arith.constant 0 : i32
    %dma_start3A_262 = tpu.memref_slice %arg13[%dma_start3A_260, %dma_start3A_261] : memref<392x64xf32, #tpu.memory_space<vmem>> -> memref<392x64xf32, #tpu.memory_space<vmem>>
    %dma_start3A_263 = arith.constant 0 : i32
    %dma_start3A_264 = tpu.memref_slice %arg7[%add3A_259, %dma_start3A_263] : memref<100000x64xf32, #tpu.memory_space<hbm>> -> memref<392x64xf32, #tpu.memory_space<hbm>>
    %dma_start3A_265 = arith.constant 0 : i32
    %dma_start3A_266 = tpu.memref_slice %arg7[%add3A_259, %dma_start3A_265] : memref<100000x64xf32, #tpu.memory_space<hbm>> -> memref<392x64xf32, #tpu.memory_space<hbm>>
    %dma_start3A_267 = arith.constant 0 : i32
    %dma_start3A_268 = arith.constant 0 : i32
    %dma_start3A_269 = tpu.memref_slice %arg13[%dma_start3A_267, %dma_start3A_268] : memref<392x64xf32, #tpu.memory_space<vmem>> -> memref<392x64xf32, #tpu.memory_space<vmem>>
    tpu.enqueue_dma source(%dma_start3A_269 : memref<392x64xf32, #tpu.memory_space<vmem>>) target(%dma_start3A_266 : memref<392x64xf32, #tpu.memory_space<hbm>>) target_semaphore(%arg17 : memref<!tpu.dma_semaphore, #tpu.memory_space<semaphore_mem>>)
    %dma_wait3A_270 = arith.constant 0 : i32
    %dma_wait3A_271 = arith.constant 0 : i32
    %dma_wait3A_272 = tpu.memref_slice %arg13[%dma_wait3A_270, %dma_wait3A_271] : memref<392x64xf32, #tpu.memory_space<vmem>> -> memref<392x64xf32, #tpu.memory_space<vmem>>
    %dma_wait3A_273 = arith.constant 0 : i32
    %dma_wait3A_274 = tpu.memref_slice %arg7[%add3A_259, %dma_wait3A_273] : memref<100000x64xf32, #tpu.memory_space<hbm>> -> memref<392x64xf32, #tpu.memory_space<hbm>>
    %dma_wait3A_275 = arith.constant 0 : i32
    %dma_wait3A_276 = tpu.memref_slice %arg7[%add3A_259, %dma_wait3A_275] : memref<100000x64xf32, #tpu.memory_space<hbm>> -> memref<392x64xf32, #tpu.memory_space<hbm>>
    %dma_wait3A_277 = arith.constant 0 : i32
    %dma_wait3A_278 = arith.constant 0 : i32
    %dma_wait3A_279 = tpu.memref_slice %arg13[%dma_wait3A_277, %dma_wait3A_278] : memref<392x64xf32, #tpu.memory_space<vmem>> -> memref<392x64xf32, #tpu.memory_space<vmem>>
    tpu.wait_dma2 semaphore(%arg17 : memref<!tpu.dma_semaphore, #tpu.memory_space<semaphore_mem>>) src(%dma_wait3A_279 : memref<392x64xf32, #tpu.memory_space<vmem>>) dst(%dma_wait3A_276 : memref<392x64xf32, #tpu.memory_space<hbm>>)
    %add3A_280 = arith.constant 2352 : i32
    %add3A_281 = arith.addi %min3A_48, %add3A_280 : i32
    %dma_start3A_282 = arith.constant 0 : i32
    %dma_start3A_283 = arith.constant 0 : i32
    %dma_start3A_284 = tpu.memref_slice %arg13[%dma_start3A_282, %dma_start3A_283] : memref<392x64xf32, #tpu.memory_space<vmem>> -> memref<392x64xf32, #tpu.memory_space<vmem>>
    %dma_start3A_285 = arith.constant 0 : i32
    %dma_start3A_286 = tpu.memref_slice %arg4[%add3A_281, %dma_start3A_285] : memref<100000x64xf32, #tpu.memory_space<hbm>> -> memref<392x64xf32, #tpu.memory_space<hbm>>
    %dma_start3A_287 = arith.constant 0 : i32
    %dma_start3A_288 = arith.constant 0 : i32
    %dma_start3A_289 = tpu.memref_slice %arg13[%dma_start3A_287, %dma_start3A_288] : memref<392x64xf32, #tpu.memory_space<vmem>> -> memref<392x64xf32, #tpu.memory_space<vmem>>
    %dma_start3A_290 = arith.constant 0 : i32
    %dma_start3A_291 = tpu.memref_slice %arg4[%add3A_281, %dma_start3A_290] : memref<100000x64xf32, #tpu.memory_space<hbm>> -> memref<392x64xf32, #tpu.memory_space<hbm>>
    tpu.enqueue_dma source(%dma_start3A_291 : memref<392x64xf32, #tpu.memory_space<hbm>>) target(%dma_start3A_289 : memref<392x64xf32, #tpu.memory_space<vmem>>) target_semaphore(%arg16 : memref<!tpu.dma_semaphore, #tpu.memory_space<semaphore_mem>>)
    %dma_wait3A_292 = arith.constant 0 : i32
    %dma_wait3A_293 = arith.constant 0 : i32
    %dma_wait3A_294 = tpu.memref_slice %arg14[%dma_wait3A_292, %dma_wait3A_293] : memref<392x64xf32, #tpu.memory_space<vmem>> -> memref<392x64xf32, #tpu.memory_space<vmem>>
    %dma_wait3A_295 = arith.constant 0 : i32
    %dma_wait3A_296 = tpu.memref_slice %arg4[%add3A_237, %dma_wait3A_295] : memref<100000x64xf32, #tpu.memory_space<hbm>> -> memref<392x64xf32, #tpu.memory_space<hbm>>
    %dma_wait3A_297 = arith.constant 0 : i32
    %dma_wait3A_298 = arith.constant 0 : i32
    %dma_wait3A_299 = tpu.memref_slice %arg14[%dma_wait3A_297, %dma_wait3A_298] : memref<392x64xf32, #tpu.memory_space<vmem>> -> memref<392x64xf32, #tpu.memory_space<vmem>>
    %dma_wait3A_300 = arith.constant 0 : i32
    %dma_wait3A_301 = tpu.memref_slice %arg4[%add3A_237, %dma_wait3A_300] : memref<100000x64xf32, #tpu.memory_space<hbm>> -> memref<392x64xf32, #tpu.memory_space<hbm>>
    tpu.wait_dma2 semaphore(%arg16 : memref<!tpu.dma_semaphore, #tpu.memory_space<semaphore_mem>>) src(%dma_wait3A_301 : memref<392x64xf32, #tpu.memory_space<hbm>>) dst(%dma_wait3A_299 : memref<392x64xf32, #tpu.memory_space<vmem>>)
    %add3A_302 = arith.constant 1960 : i32
    %add3A_303 = arith.addi %min3A_48, %add3A_302 : i32
    %dma_start3A_304 = arith.constant 0 : i32
    %dma_start3A_305 = arith.constant 0 : i32
    %dma_start3A_306 = tpu.memref_slice %arg14[%dma_start3A_304, %dma_start3A_305] : memref<392x64xf32, #tpu.memory_space<vmem>> -> memref<392x64xf32, #tpu.memory_space<vmem>>
    %dma_start3A_307 = arith.constant 0 : i32
    %dma_start3A_308 = tpu.memref_slice %arg7[%add3A_303, %dma_start3A_307] : memref<100000x64xf32, #tpu.memory_space<hbm>> -> memref<392x64xf32, #tpu.memory_space<hbm>>
    %dma_start3A_309 = arith.constant 0 : i32
    %dma_start3A_310 = tpu.memref_slice %arg7[%add3A_303, %dma_start3A_309] : memref<100000x64xf32, #tpu.memory_space<hbm>> -> memref<392x64xf32, #tpu.memory_space<hbm>>
    %dma_start3A_311 = arith.constant 0 : i32
    %dma_start3A_312 = arith.constant 0 : i32
    %dma_start3A_313 = tpu.memref_slice %arg14[%dma_start3A_311, %dma_start3A_312] : memref<392x64xf32, #tpu.memory_space<vmem>> -> memref<392x64xf32, #tpu.memory_space<vmem>>
    tpu.enqueue_dma source(%dma_start3A_313 : memref<392x64xf32, #tpu.memory_space<vmem>>) target(%dma_start3A_310 : memref<392x64xf32, #tpu.memory_space<hbm>>) target_semaphore(%arg17 : memref<!tpu.dma_semaphore, #tpu.memory_space<semaphore_mem>>)
    %dma_wait3A_314 = arith.constant 0 : i32
    %dma_wait3A_315 = arith.constant 0 : i32
    %dma_wait3A_316 = tpu.memref_slice %arg14[%dma_wait3A_314, %dma_wait3A_315] : memref<392x64xf32, #tpu.memory_space<vmem>> -> memref<392x64xf32, #tpu.memory_space<vmem>>
    %dma_wait3A_317 = arith.constant 0 : i32
    %dma_wait3A_318 = tpu.memref_slice %arg7[%add3A_303, %dma_wait3A_317] : memref<100000x64xf32, #tpu.memory_space<hbm>> -> memref<392x64xf32, #tpu.memory_space<hbm>>
    %dma_wait3A_319 = arith.constant 0 : i32
    %dma_wait3A_320 = tpu.memref_slice %arg7[%add3A_303, %dma_wait3A_319] : memref<100000x64xf32, #tpu.memory_space<hbm>> -> memref<392x64xf32, #tpu.memory_space<hbm>>
    %dma_wait3A_321 = arith.constant 0 : i32
    %dma_wait3A_322 = arith.constant 0 : i32
    %dma_wait3A_323 = tpu.memref_slice %arg14[%dma_wait3A_321, %dma_wait3A_322] : memref<392x64xf32, #tpu.memory_space<vmem>> -> memref<392x64xf32, #tpu.memory_space<vmem>>
    tpu.wait_dma2 semaphore(%arg17 : memref<!tpu.dma_semaphore, #tpu.memory_space<semaphore_mem>>) src(%dma_wait3A_323 : memref<392x64xf32, #tpu.memory_space<vmem>>) dst(%dma_wait3A_320 : memref<392x64xf32, #tpu.memory_space<hbm>>)
    %add3A_324 = arith.constant 2744 : i32
    %add3A_325 = arith.addi %min3A_48, %add3A_324 : i32
    %dma_start3A_326 = arith.constant 0 : i32
    %dma_start3A_327 = arith.constant 0 : i32
    %dma_start3A_328 = tpu.memref_slice %arg14[%dma_start3A_326, %dma_start3A_327] : memref<392x64xf32, #tpu.memory_space<vmem>> -> memref<384x64xf32, #tpu.memory_space<vmem>>
    %dma_start3A_329 = arith.constant 0 : i32
    %dma_start3A_330 = tpu.memref_slice %arg4[%add3A_325, %dma_start3A_329] : memref<100000x64xf32, #tpu.memory_space<hbm>> -> memref<384x64xf32, #tpu.memory_space<hbm>>
    %dma_start3A_331 = arith.constant 0 : i32
    %dma_start3A_332 = arith.constant 0 : i32
    %dma_start3A_333 = tpu.memref_slice %arg14[%dma_start3A_331, %dma_start3A_332] : memref<392x64xf32, #tpu.memory_space<vmem>> -> memref<384x64xf32, #tpu.memory_space<vmem>>
    %dma_start3A_334 = arith.constant 0 : i32
    %dma_start3A_335 = tpu.memref_slice %arg4[%add3A_325, %dma_start3A_334] : memref<100000x64xf32, #tpu.memory_space<hbm>> -> memref<384x64xf32, #tpu.memory_space<hbm>>
    tpu.enqueue_dma source(%dma_start3A_335 : memref<384x64xf32, #tpu.memory_space<hbm>>) target(%dma_start3A_333 : memref<384x64xf32, #tpu.memory_space<vmem>>) target_semaphore(%arg16 : memref<!tpu.dma_semaphore, #tpu.memory_space<semaphore_mem>>)
    %dma_wait3A_336 = arith.constant 0 : i32
    %dma_wait3A_337 = arith.constant 0 : i32
    %dma_wait3A_338 = tpu.memref_slice %arg13[%dma_wait3A_336, %dma_wait3A_337] : memref<392x64xf32, #tpu.memory_space<vmem>> -> memref<392x64xf32, #tpu.memory_space<vmem>>
    %dma_wait3A_339 = arith.constant 0 : i32
    %dma_wait3A_340 = tpu.memref_slice %arg4[%add3A_281, %dma_wait3A_339] : memref<100000x64xf32, #tpu.memory_space<hbm>> -> memref<392x64xf32, #tpu.memory_space<hbm>>
    %dma_wait3A_341 = arith.constant 0 : i32
    %dma_wait3A_342 = arith.constant 0 : i32
    %dma_wait3A_343 = tpu.memref_slice %arg13[%dma_wait3A_341, %dma_wait3A_342] : memref<392x64xf32, #tpu.memory_space<vmem>> -> memref<392x64xf32, #tpu.memory_space<vmem>>
    %dma_wait3A_344 = arith.constant 0 : i32
    %dma_wait3A_345 = tpu.memref_slice %arg4[%add3A_281, %dma_wait3A_344] : memref<100000x64xf32, #tpu.memory_space<hbm>> -> memref<392x64xf32, #tpu.memory_space<hbm>>
    tpu.wait_dma2 semaphore(%arg16 : memref<!tpu.dma_semaphore, #tpu.memory_space<semaphore_mem>>) src(%dma_wait3A_345 : memref<392x64xf32, #tpu.memory_space<hbm>>) dst(%dma_wait3A_343 : memref<392x64xf32, #tpu.memory_space<vmem>>)
    %add3A_346 = arith.constant 2352 : i32
    %add3A_347 = arith.addi %min3A_48, %add3A_346 : i32
    %dma_start3A_348 = arith.constant 0 : i32
    %dma_start3A_349 = arith.constant 0 : i32
    %dma_start3A_350 = tpu.memref_slice %arg13[%dma_start3A_348, %dma_start3A_349] : memref<392x64xf32, #tpu.memory_space<vmem>> -> memref<392x64xf32, #tpu.memory_space<vmem>>
    %dma_start3A_351 = arith.constant 0 : i32
    %dma_start3A_352 = tpu.memref_slice %arg7[%add3A_347, %dma_start3A_351] : memref<100000x64xf32, #tpu.memory_space<hbm>> -> memref<392x64xf32, #tpu.memory_space<hbm>>
    %dma_start3A_353 = arith.constant 0 : i32
    %dma_start3A_354 = tpu.memref_slice %arg7[%add3A_347, %dma_start3A_353] : memref<100000x64xf32, #tpu.memory_space<hbm>> -> memref<392x64xf32, #tpu.memory_space<hbm>>
    %dma_start3A_355 = arith.constant 0 : i32
    %dma_start3A_356 = arith.constant 0 : i32
    %dma_start3A_357 = tpu.memref_slice %arg13[%dma_start3A_355, %dma_start3A_356] : memref<392x64xf32, #tpu.memory_space<vmem>> -> memref<392x64xf32, #tpu.memory_space<vmem>>
    tpu.enqueue_dma source(%dma_start3A_357 : memref<392x64xf32, #tpu.memory_space<vmem>>) target(%dma_start3A_354 : memref<392x64xf32, #tpu.memory_space<hbm>>) target_semaphore(%arg17 : memref<!tpu.dma_semaphore, #tpu.memory_space<semaphore_mem>>)
    %dma_wait3A_358 = arith.constant 0 : i32
    %dma_wait3A_359 = arith.constant 0 : i32
    %dma_wait3A_360 = tpu.memref_slice %arg13[%dma_wait3A_358, %dma_wait3A_359] : memref<392x64xf32, #tpu.memory_space<vmem>> -> memref<392x64xf32, #tpu.memory_space<vmem>>
    %dma_wait3A_361 = arith.constant 0 : i32
    %dma_wait3A_362 = tpu.memref_slice %arg7[%add3A_347, %dma_wait3A_361] : memref<100000x64xf32, #tpu.memory_space<hbm>> -> memref<392x64xf32, #tpu.memory_space<hbm>>
    %dma_wait3A_363 = arith.constant 0 : i32
    %dma_wait3A_364 = tpu.memref_slice %arg7[%add3A_347, %dma_wait3A_363] : memref<100000x64xf32, #tpu.memory_space<hbm>> -> memref<392x64xf32, #tpu.memory_space<hbm>>
    %dma_wait3A_365 = arith.constant 0 : i32
    %dma_wait3A_366 = arith.constant 0 : i32
    %dma_wait3A_367 = tpu.memref_slice %arg13[%dma_wait3A_365, %dma_wait3A_366] : memref<392x64xf32, #tpu.memory_space<vmem>> -> memref<392x64xf32, #tpu.memory_space<vmem>>
    tpu.wait_dma2 semaphore(%arg17 : memref<!tpu.dma_semaphore, #tpu.memory_space<semaphore_mem>>) src(%dma_wait3A_367 : memref<392x64xf32, #tpu.memory_space<vmem>>) dst(%dma_wait3A_364 : memref<392x64xf32, #tpu.memory_space<hbm>>)
    %dma_wait3A_368 = arith.constant 0 : i32
    %dma_wait3A_369 = arith.constant 0 : i32
    %dma_wait3A_370 = tpu.memref_slice %arg14[%dma_wait3A_368, %dma_wait3A_369] : memref<392x64xf32, #tpu.memory_space<vmem>> -> memref<384x64xf32, #tpu.memory_space<vmem>>
    %dma_wait3A_371 = arith.constant 0 : i32
    %dma_wait3A_372 = tpu.memref_slice %arg4[%add3A_325, %dma_wait3A_371] : memref<100000x64xf32, #tpu.memory_space<hbm>> -> memref<384x64xf32, #tpu.memory_space<hbm>>
    %dma_wait3A_373 = arith.constant 0 : i32
    %dma_wait3A_374 = arith.constant 0 : i32
    %dma_wait3A_375 = tpu.memref_slice %arg14[%dma_wait3A_373, %dma_wait3A_374] : memref<392x64xf32, #tpu.memory_space<vmem>> -> memref<384x64xf32, #tpu.memory_space<vmem>>
    %dma_wait3A_376 = arith.constant 0 : i32
    %dma_wait3A_377 = tpu.memref_slice %arg4[%add3A_325, %dma_wait3A_376] : memref<100000x64xf32, #tpu.memory_space<hbm>> -> memref<384x64xf32, #tpu.memory_space<hbm>>
    tpu.wait_dma2 semaphore(%arg16 : memref<!tpu.dma_semaphore, #tpu.memory_space<semaphore_mem>>) src(%dma_wait3A_377 : memref<384x64xf32, #tpu.memory_space<hbm>>) dst(%dma_wait3A_375 : memref<384x64xf32, #tpu.memory_space<vmem>>)
    %add3A_378 = arith.constant 2744 : i32
    %add3A_379 = arith.addi %min3A_48, %add3A_378 : i32
    %dma_start3A_380 = arith.constant 0 : i32
    %dma_start3A_381 = arith.constant 0 : i32
    %dma_start3A_382 = tpu.memref_slice %arg14[%dma_start3A_380, %dma_start3A_381] : memref<392x64xf32, #tpu.memory_space<vmem>> -> memref<384x64xf32, #tpu.memory_space<vmem>>
    %dma_start3A_383 = arith.constant 0 : i32
    %dma_start3A_384 = tpu.memref_slice %arg7[%add3A_379, %dma_start3A_383] : memref<100000x64xf32, #tpu.memory_space<hbm>> -> memref<384x64xf32, #tpu.memory_space<hbm>>
    %dma_start3A_385 = arith.constant 0 : i32
    %dma_start3A_386 = tpu.memref_slice %arg7[%add3A_379, %dma_start3A_385] : memref<100000x64xf32, #tpu.memory_space<hbm>> -> memref<384x64xf32, #tpu.memory_space<hbm>>
    %dma_start3A_387 = arith.constant 0 : i32
    %dma_start3A_388 = arith.constant 0 : i32
    %dma_start3A_389 = tpu.memref_slice %arg14[%dma_start3A_387, %dma_start3A_388] : memref<392x64xf32, #tpu.memory_space<vmem>> -> memref<384x64xf32, #tpu.memory_space<vmem>>
    tpu.enqueue_dma source(%dma_start3A_389 : memref<384x64xf32, #tpu.memory_space<vmem>>) target(%dma_start3A_386 : memref<384x64xf32, #tpu.memory_space<hbm>>) target_semaphore(%arg17 : memref<!tpu.dma_semaphore, #tpu.memory_space<semaphore_mem>>)
    %dma_wait3A_390 = arith.constant 0 : i32
    %dma_wait3A_391 = arith.constant 0 : i32
    %dma_wait3A_392 = tpu.memref_slice %arg14[%dma_wait3A_390, %dma_wait3A_391] : memref<392x64xf32, #tpu.memory_space<vmem>> -> memref<384x64xf32, #tpu.memory_space<vmem>>
    %dma_wait3A_393 = arith.constant 0 : i32
    %dma_wait3A_394 = tpu.memref_slice %arg7[%add3A_379, %dma_wait3A_393] : memref<100000x64xf32, #tpu.memory_space<hbm>> -> memref<384x64xf32, #tpu.memory_space<hbm>>
    %dma_wait3A_395 = arith.constant 0 : i32
    %dma_wait3A_396 = tpu.memref_slice %arg7[%add3A_379, %dma_wait3A_395] : memref<100000x64xf32, #tpu.memory_space<hbm>> -> memref<384x64xf32, #tpu.memory_space<hbm>>
    %dma_wait3A_397 = arith.constant 0 : i32
    %dma_wait3A_398 = arith.constant 0 : i32
    %dma_wait3A_399 = tpu.memref_slice %arg14[%dma_wait3A_397, %dma_wait3A_398] : memref<392x64xf32, #tpu.memory_space<vmem>> -> memref<384x64xf32, #tpu.memory_space<vmem>>
    tpu.wait_dma2 semaphore(%arg17 : memref<!tpu.dma_semaphore, #tpu.memory_space<semaphore_mem>>) src(%dma_wait3A_399 : memref<384x64xf32, #tpu.memory_space<vmem>>) dst(%dma_wait3A_396 : memref<384x64xf32, #tpu.memory_space<hbm>>)
    %dma_wait3A_400 = arith.constant 0 : i32
    %dma_wait3A_401 = tpu.memref_slice %arg2[%mul3A_2, %dma_wait3A_400] : memref<16384x64xf32, #tpu.memory_space<hbm>> -> memref<512x64xf32, #tpu.memory_space<hbm>>
    %dma_wait3A_402 = arith.constant 0 : i32
    %dma_wait3A_403 = tpu.memref_slice %arg2[%mul3A_2, %dma_wait3A_402] : memref<16384x64xf32, #tpu.memory_space<hbm>> -> memref<512x64xf32, #tpu.memory_space<hbm>>
    tpu.wait_dma2 semaphore(%arg15 : memref<!tpu.dma_semaphore, #tpu.memory_space<semaphore_mem>>) src(%dma_wait3A_403 : memref<512x64xf32, #tpu.memory_space<hbm>>) dst(%arg9 : memref<512x64xf32, #tpu.memory_space<vmem>>)
    %dma_wait3A_404 = arith.constant 0 : i32
    %dma_wait3A_405 = arith.constant 0 : i32
    %dma_wait3A_406 = arith.constant 0 : i32
    %dma_wait3A_407 = tpu.memref_slice %arg10[%dma_wait3A_405, %dma_wait3A_406] : memref<512x64xf32, #tpu.memory_space<vmem>> -> memref<128x64xf32, #tpu.memory_space<vmem>>
    %dma_wait3A_408 = arith.constant 0 : i32
    %dma_wait3A_409 = tpu.memref_slice %arg8[%dma_wait3A_404, %dma_wait3A_408] : memref<4x128xi32, #tpu.memory_space<vmem>> -> memref<1x128xi32, #tpu.memory_space<vmem>>
    %dma_wait3A_410 = tpu.memref_squeeze %dma_wait3A_409 : memref<1x128xi32, #tpu.memory_space<vmem>> -> memref<128xi32, #tpu.memory_space<vmem>>
    %dma_wait3A_411 = arith.constant 0 : i32
    %dma_wait3A_412 = arith.constant 0 : i32
    %dma_wait3A_413 = tpu.memref_slice %arg4[%dma_wait3A_411, %dma_wait3A_412] : memref<100000x64xf32, #tpu.memory_space<hbm>> -> memref<100000x64xf32, #tpu.memory_space<hbm>>
    tpu.wait_indirect_dma semaphore(%arg15 : memref<!tpu.dma_semaphore, #tpu.memory_space<semaphore_mem>>) src(%dma_wait3A_413 : memref<100000x64xf32, #tpu.memory_space<hbm>>) dst(%dma_wait3A_407 : memref<128x64xf32, #tpu.memory_space<vmem>>)
    %dma_wait3A_414 = arith.constant 1 : i32
    %dma_wait3A_415 = arith.constant 128 : i32
    %dma_wait3A_416 = arith.constant 0 : i32
    %dma_wait3A_417 = tpu.memref_slice %arg10[%dma_wait3A_415, %dma_wait3A_416] : memref<512x64xf32, #tpu.memory_space<vmem>> -> memref<128x64xf32, #tpu.memory_space<vmem>>
    %dma_wait3A_418 = arith.constant 0 : i32
    %dma_wait3A_419 = tpu.memref_slice %arg8[%dma_wait3A_414, %dma_wait3A_418] : memref<4x128xi32, #tpu.memory_space<vmem>> -> memref<1x128xi32, #tpu.memory_space<vmem>>
    %dma_wait3A_420 = tpu.memref_squeeze %dma_wait3A_419 : memref<1x128xi32, #tpu.memory_space<vmem>> -> memref<128xi32, #tpu.memory_space<vmem>>
    %dma_wait3A_421 = arith.constant 0 : i32
    %dma_wait3A_422 = arith.constant 0 : i32
    %dma_wait3A_423 = tpu.memref_slice %arg4[%dma_wait3A_421, %dma_wait3A_422] : memref<100000x64xf32, #tpu.memory_space<hbm>> -> memref<100000x64xf32, #tpu.memory_space<hbm>>
    tpu.wait_indirect_dma semaphore(%arg15 : memref<!tpu.dma_semaphore, #tpu.memory_space<semaphore_mem>>) src(%dma_wait3A_423 : memref<100000x64xf32, #tpu.memory_space<hbm>>) dst(%dma_wait3A_417 : memref<128x64xf32, #tpu.memory_space<vmem>>)
    %dma_wait3A_424 = arith.constant 2 : i32
    %dma_wait3A_425 = arith.constant 256 : i32
    %dma_wait3A_426 = arith.constant 0 : i32
    %dma_wait3A_427 = tpu.memref_slice %arg10[%dma_wait3A_425, %dma_wait3A_426] : memref<512x64xf32, #tpu.memory_space<vmem>> -> memref<128x64xf32, #tpu.memory_space<vmem>>
    %dma_wait3A_428 = arith.constant 0 : i32
    %dma_wait3A_429 = tpu.memref_slice %arg8[%dma_wait3A_424, %dma_wait3A_428] : memref<4x128xi32, #tpu.memory_space<vmem>> -> memref<1x128xi32, #tpu.memory_space<vmem>>
    %dma_wait3A_430 = tpu.memref_squeeze %dma_wait3A_429 : memref<1x128xi32, #tpu.memory_space<vmem>> -> memref<128xi32, #tpu.memory_space<vmem>>
    %dma_wait3A_431 = arith.constant 0 : i32
    %dma_wait3A_432 = arith.constant 0 : i32
    %dma_wait3A_433 = tpu.memref_slice %arg4[%dma_wait3A_431, %dma_wait3A_432] : memref<100000x64xf32, #tpu.memory_space<hbm>> -> memref<100000x64xf32, #tpu.memory_space<hbm>>
    tpu.wait_indirect_dma semaphore(%arg15 : memref<!tpu.dma_semaphore, #tpu.memory_space<semaphore_mem>>) src(%dma_wait3A_433 : memref<100000x64xf32, #tpu.memory_space<hbm>>) dst(%dma_wait3A_427 : memref<128x64xf32, #tpu.memory_space<vmem>>)
    %dma_wait3A_434 = arith.constant 3 : i32
    %dma_wait3A_435 = arith.constant 384 : i32
    %dma_wait3A_436 = arith.constant 0 : i32
    %dma_wait3A_437 = tpu.memref_slice %arg10[%dma_wait3A_435, %dma_wait3A_436] : memref<512x64xf32, #tpu.memory_space<vmem>> -> memref<128x64xf32, #tpu.memory_space<vmem>>
    %dma_wait3A_438 = arith.constant 0 : i32
    %dma_wait3A_439 = tpu.memref_slice %arg8[%dma_wait3A_434, %dma_wait3A_438] : memref<4x128xi32, #tpu.memory_space<vmem>> -> memref<1x128xi32, #tpu.memory_space<vmem>>
    %dma_wait3A_440 = tpu.memref_squeeze %dma_wait3A_439 : memref<1x128xi32, #tpu.memory_space<vmem>> -> memref<128xi32, #tpu.memory_space<vmem>>
    %dma_wait3A_441 = arith.constant 0 : i32
    %dma_wait3A_442 = arith.constant 0 : i32
    %dma_wait3A_443 = tpu.memref_slice %arg4[%dma_wait3A_441, %dma_wait3A_442] : memref<100000x64xf32, #tpu.memory_space<hbm>> -> memref<100000x64xf32, #tpu.memory_space<hbm>>
    tpu.wait_indirect_dma semaphore(%arg15 : memref<!tpu.dma_semaphore, #tpu.memory_space<semaphore_mem>>) src(%dma_wait3A_443 : memref<100000x64xf32, #tpu.memory_space<hbm>>) dst(%dma_wait3A_437 : memref<128x64xf32, #tpu.memory_space<vmem>>)
    %get3A = arith.constant 0 : index
    %get3A_444 = tpu.vector_load %arg11[%get3A] {strides = array<i32>} : memref<16xf32, #tpu.memory_space<vmem>>, vector<16xf32>,
    %get3A_445 = vector.shape_cast %get3A_444 : vector<16xf32> to vector<16xf32>
    %broadcast_in_dim3A = arith.constant 0.000000e+00 : f32
    %broadcast_in_dim3A_446 = vector.broadcast %broadcast_in_dim3A : f32 to vector<16xf32>
    %scan3A = arith.constant 0 : i32
    %scan3A_447 = arith.constant 512 : i32
    %scan3A_448 = arith.addi %scan3A, %scan3A_447 : i32
    %scan3A_449 = arith.constant 1 : i32
    %scan3A_450 = scf.for %scan3A_537 = %scan3A to %scan3A_448 step %scan3A_449 iter_args(%scan3A_538 = %broadcast_in_dim3A_446) -> (vector<16xf32>)  : i32 {
      %get3A_539 = arith.index_cast %scan3A_537 : i32 to index
      %get3A_540 = arith.constant 0 : index
      %get3A_541 = tpu.vector_load %arg10[%get3A_539, %get3A_540] {strides = array<i32>} : memref<512x64xf32, #tpu.memory_space<vmem>>, vector<1x16xf32>,
      %get3A_542 = vector.shape_cast %get3A_541 : vector<1x16xf32> to vector<16xf32>
      %get3A_543 = arith.index_cast %scan3A_537 : i32 to index
      %get3A_544 = arith.constant 0 : index
      %get3A_545 = tpu.vector_load %arg9[%get3A_543, %get3A_544] {strides = array<i32>} : memref<512x64xf32, #tpu.memory_space<vmem>>, vector<1x16xf32>,
      %get3A_546 = vector.shape_cast %get3A_545 : vector<1x16xf32> to vector<16xf32>
      %sub3A = arith.subf %get3A_542, %get3A_546 : vector<16xf32>
      %mul3A_547 = arith.mulf %sub3A, %sub3A : vector<16xf32>
      %add3A_548 = arith.addf %scan3A_538, %mul3A_547 : vector<16xf32>
      %mul3A_549 = arith.mulf %get3A_445, %sub3A : vector<16xf32>
      %sub3A_550 = arith.subf %get3A_542, %mul3A_549 : vector<16xf32>
      %swap3A_551 = arith.index_cast %scan3A_537 : i32 to index
      %swap3A_552 = arith.constant 0 : index
      %swap3A_553 = tpu.vector_load %arg10[%swap3A_551, %swap3A_552] {strides = array<i32>} : memref<512x64xf32, #tpu.memory_space<vmem>>, vector<1x16xf32>,
      %swap3A_554 = vector.shape_cast %swap3A_553 : vector<1x16xf32> to vector<16xf32>
      %swap3A_555 = vector.shape_cast %sub3A_550 : vector<16xf32> to vector<1x16xf32>
      tpu.vector_store %arg10[%swap3A_551, %swap3A_552], %swap3A_555 {strides = array<i32>} : memref<512x64xf32, #tpu.memory_space<vmem>>, vector<1x16xf32>,
      %get3A_556 = arith.index_cast %scan3A_537 : i32 to index
      %get3A_557 = arith.constant 16 : index
      %get3A_558 = tpu.vector_load %arg10[%get3A_556, %get3A_557] {strides = array<i32>} : memref<512x64xf32, #tpu.memory_space<vmem>>, vector<1x16xf32>,
      %get3A_559 = vector.shape_cast %get3A_558 : vector<1x16xf32> to vector<16xf32>
      %get3A_560 = arith.index_cast %scan3A_537 : i32 to index
      %get3A_561 = arith.constant 16 : index
      %get3A_562 = tpu.vector_load %arg9[%get3A_560, %get3A_561] {strides = array<i32>} : memref<512x64xf32, #tpu.memory_space<vmem>>, vector<1x16xf32>,
      %get3A_563 = vector.shape_cast %get3A_562 : vector<1x16xf32> to vector<16xf32>
      %sub3A_564 = arith.subf %get3A_559, %get3A_563 : vector<16xf32>
      %mul3A_565 = arith.mulf %sub3A_564, %sub3A_564 : vector<16xf32>
      %add3A_566 = arith.addf %add3A_548, %mul3A_565 : vector<16xf32>
      %mul3A_567 = arith.mulf %get3A_445, %sub3A_564 : vector<16xf32>
      %sub3A_568 = arith.subf %get3A_559, %mul3A_567 : vector<16xf32>
      %swap3A_569 = arith.index_cast %scan3A_537 : i32 to index
      %swap3A_570 = arith.constant 16 : index
      %swap3A_571 = tpu.vector_load %arg10[%swap3A_569, %swap3A_570] {strides = array<i32>} : memref<512x64xf32, #tpu.memory_space<vmem>>, vector<1x16xf32>,
      %swap3A_572 = vector.shape_cast %swap3A_571 : vector<1x16xf32> to vector<16xf32>
      %swap3A_573 = vector.shape_cast %sub3A_568 : vector<16xf32> to vector<1x16xf32>
      tpu.vector_store %arg10[%swap3A_569, %swap3A_570], %swap3A_573 {strides = array<i32>} : memref<512x64xf32, #tpu.memory_space<vmem>>, vector<1x16xf32>,
      %get3A_574 = arith.index_cast %scan3A_537 : i32 to index
      %get3A_575 = arith.constant 32 : index
      %get3A_576 = tpu.vector_load %arg10[%get3A_574, %get3A_575] {strides = array<i32>} : memref<512x64xf32, #tpu.memory_space<vmem>>, vector<1x16xf32>,
      %get3A_577 = vector.shape_cast %get3A_576 : vector<1x16xf32> to vector<16xf32>
      %get3A_578 = arith.index_cast %scan3A_537 : i32 to index
      %get3A_579 = arith.constant 32 : index
      %get3A_580 = tpu.vector_load %arg9[%get3A_578, %get3A_579] {strides = array<i32>} : memref<512x64xf32, #tpu.memory_space<vmem>>, vector<1x16xf32>,
      %get3A_581 = vector.shape_cast %get3A_580 : vector<1x16xf32> to vector<16xf32>
      %sub3A_582 = arith.subf %get3A_577, %get3A_581 : vector<16xf32>
      %mul3A_583 = arith.mulf %sub3A_582, %sub3A_582 : vector<16xf32>
      %add3A_584 = arith.addf %add3A_566, %mul3A_583 : vector<16xf32>
      %mul3A_585 = arith.mulf %get3A_445, %sub3A_582 : vector<16xf32>
      %sub3A_586 = arith.subf %get3A_577, %mul3A_585 : vector<16xf32>
      %swap3A_587 = arith.index_cast %scan3A_537 : i32 to index
      %swap3A_588 = arith.constant 32 : index
      %swap3A_589 = tpu.vector_load %arg10[%swap3A_587, %swap3A_588] {strides = array<i32>} : memref<512x64xf32, #tpu.memory_space<vmem>>, vector<1x16xf32>,
      %swap3A_590 = vector.shape_cast %swap3A_589 : vector<1x16xf32> to vector<16xf32>
      %swap3A_591 = vector.shape_cast %sub3A_586 : vector<16xf32> to vector<1x16xf32>
      tpu.vector_store %arg10[%swap3A_587, %swap3A_588], %swap3A_591 {strides = array<i32>} : memref<512x64xf32, #tpu.memory_space<vmem>>, vector<1x16xf32>,
      %get3A_592 = arith.index_cast %scan3A_537 : i32 to index
      %get3A_593 = arith.constant 48 : index
      %get3A_594 = tpu.vector_load %arg10[%get3A_592, %get3A_593] {strides = array<i32>} : memref<512x64xf32, #tpu.memory_space<vmem>>, vector<1x16xf32>,
      %get3A_595 = vector.shape_cast %get3A_594 : vector<1x16xf32> to vector<16xf32>
      %get3A_596 = arith.index_cast %scan3A_537 : i32 to index
      %get3A_597 = arith.constant 48 : index
      %get3A_598 = tpu.vector_load %arg9[%get3A_596, %get3A_597] {strides = array<i32>} : memref<512x64xf32, #tpu.memory_space<vmem>>, vector<1x16xf32>,
      %get3A_599 = vector.shape_cast %get3A_598 : vector<1x16xf32> to vector<16xf32>
      %sub3A_600 = arith.subf %get3A_595, %get3A_599 : vector<16xf32>
      %mul3A_601 = arith.mulf %sub3A_600, %sub3A_600 : vector<16xf32>
      %add3A_602 = arith.addf %add3A_584, %mul3A_601 : vector<16xf32>
      %mul3A_603 = arith.mulf %get3A_445, %sub3A_600 : vector<16xf32>
      %sub3A_604 = arith.subf %get3A_595, %mul3A_603 : vector<16xf32>
      %swap3A_605 = arith.index_cast %scan3A_537 : i32 to index
      %swap3A_606 = arith.constant 48 : index
      %swap3A_607 = tpu.vector_load %arg10[%swap3A_605, %swap3A_606] {strides = array<i32>} : memref<512x64xf32, #tpu.memory_space<vmem>>, vector<1x16xf32>,
      %swap3A_608 = vector.shape_cast %swap3A_607 : vector<1x16xf32> to vector<16xf32>
      %swap3A_609 = vector.shape_cast %sub3A_604 : vector<16xf32> to vector<1x16xf32>
      tpu.vector_store %arg10[%swap3A_605, %swap3A_606], %swap3A_609 {strides = array<i32>} : memref<512x64xf32, #tpu.memory_space<vmem>>, vector<1x16xf32>,
      scf.yield %add3A_602 : vector<16xf32>
    }
    %scan3A_451 = arith.constant 512 : i32
    %swap3A = arith.constant 0 : index
    %swap3A_452 = tpu.vector_load %arg12[%swap3A] {strides = array<i32>} : memref<16xf32, #tpu.memory_space<vmem>>, vector<16xf32>,
    %swap3A_453 = vector.shape_cast %swap3A_452 : vector<16xf32> to vector<16xf32>
    %swap3A_454 = vector.shape_cast %scan3A_450 : vector<16xf32> to vector<16xf32>
    tpu.vector_store %arg12[%swap3A], %swap3A_454 {strides = array<i32>} : memref<16xf32, #tpu.memory_space<vmem>>, vector<16xf32>,
    %mul3A_455 = arith.constant 16 : i32
    %mul3A_456 = arith.muli %add3A, %mul3A_455 : i32
    "tpu.region"() ({
      %run_scoped3A = tpu.sem_alloc : memref<!tpu.dma_semaphore, #tpu.memory_space<semaphore_mem>>
      %dma_start3A_537 = tpu.memref_slice %arg6[%mul3A_456] : memref<512xf32, #tpu.memory_space<hbm>> -> memref<16xf32, #tpu.memory_space<hbm>>
      %dma_start3A_538 = tpu.memref_slice %arg6[%mul3A_456] : memref<512xf32, #tpu.memory_space<hbm>> -> memref<16xf32, #tpu.memory_space<hbm>>
      tpu.enqueue_dma source(%arg12 : memref<16xf32, #tpu.memory_space<vmem>>) target(%dma_start3A_538 : memref<16xf32, #tpu.memory_space<hbm>>) target_semaphore(%run_scoped3A : memref<!tpu.dma_semaphore, #tpu.memory_space<semaphore_mem>>)
      %dma_wait3A_539 = tpu.memref_slice %arg6[%mul3A_456] : memref<512xf32, #tpu.memory_space<hbm>> -> memref<16xf32, #tpu.memory_space<hbm>>
      %dma_wait3A_540 = tpu.memref_slice %arg6[%mul3A_456] : memref<512xf32, #tpu.memory_space<hbm>> -> memref<16xf32, #tpu.memory_space<hbm>>
      tpu.wait_dma2 semaphore(%run_scoped3A : memref<!tpu.dma_semaphore, #tpu.memory_space<semaphore_mem>>) src(%arg12 : memref<16xf32, #tpu.memory_space<vmem>>) dst(%dma_wait3A_540 : memref<16xf32, #tpu.memory_space<hbm>>)
      tpu.yield
    }) : () -> ()
    %barrier3A = arith.constant 0 : index
    tpu.barrier barrier_id(%barrier3A)
    %dma_start3A_457 = arith.constant 0 : i32
    %dma_start3A_458 = arith.constant 0 : i32
    %dma_start3A_459 = arith.constant 0 : i32
    %dma_start3A_460 = tpu.memref_slice %arg10[%dma_start3A_458, %dma_start3A_459] : memref<512x64xf32, #tpu.memory_space<vmem>> -> memref<128x64xf32, #tpu.memory_space<vmem>>
    %dma_start3A_461 = arith.constant 0 : i32
    %dma_start3A_462 = tpu.memref_slice %arg8[%dma_start3A_457, %dma_start3A_461] : memref<4x128xi32, #tpu.memory_space<vmem>> -> memref<1x128xi32, #tpu.memory_space<vmem>>
    %dma_start3A_463 = tpu.memref_squeeze %dma_start3A_462 : memref<1x128xi32, #tpu.memory_space<vmem>> -> memref<128xi32, #tpu.memory_space<vmem>>
    %dma_start3A_464 = arith.constant 0 : i32
    %dma_start3A_465 = arith.constant 0 : i32
    %dma_start3A_466 = tpu.memref_slice %arg7[%dma_start3A_464, %dma_start3A_465] : memref<100000x64xf32, #tpu.memory_space<hbm>> -> memref<100000x64xf32, #tpu.memory_space<hbm>>
    tpu.enqueue_indirect_dma source(%dma_start3A_460 : memref<128x64xf32, #tpu.memory_space<vmem>>) target(%dma_start3A_466 : memref<100000x64xf32, #tpu.memory_space<hbm>>) offsets(%dma_start3A_463 : memref<128xi32, #tpu.memory_space<vmem>>) semaphore(%arg15 : memref<!tpu.dma_semaphore, #tpu.memory_space<semaphore_mem>>)
    %dma_start3A_467 = arith.constant 1 : i32
    %dma_start3A_468 = arith.constant 128 : i32
    %dma_start3A_469 = arith.constant 0 : i32
    %dma_start3A_470 = tpu.memref_slice %arg10[%dma_start3A_468, %dma_start3A_469] : memref<512x64xf32, #tpu.memory_space<vmem>> -> memref<128x64xf32, #tpu.memory_space<vmem>>
    %dma_start3A_471 = arith.constant 0 : i32
    %dma_start3A_472 = tpu.memref_slice %arg8[%dma_start3A_467, %dma_start3A_471] : memref<4x128xi32, #tpu.memory_space<vmem>> -> memref<1x128xi32, #tpu.memory_space<vmem>>
    %dma_start3A_473 = tpu.memref_squeeze %dma_start3A_472 : memref<1x128xi32, #tpu.memory_space<vmem>> -> memref<128xi32, #tpu.memory_space<vmem>>
    %dma_start3A_474 = arith.constant 0 : i32
    %dma_start3A_475 = arith.constant 0 : i32
    %dma_start3A_476 = tpu.memref_slice %arg7[%dma_start3A_474, %dma_start3A_475] : memref<100000x64xf32, #tpu.memory_space<hbm>> -> memref<100000x64xf32, #tpu.memory_space<hbm>>
    tpu.enqueue_indirect_dma source(%dma_start3A_470 : memref<128x64xf32, #tpu.memory_space<vmem>>) target(%dma_start3A_476 : memref<100000x64xf32, #tpu.memory_space<hbm>>) offsets(%dma_start3A_473 : memref<128xi32, #tpu.memory_space<vmem>>) semaphore(%arg15 : memref<!tpu.dma_semaphore, #tpu.memory_space<semaphore_mem>>)
    %dma_start3A_477 = arith.constant 2 : i32
    %dma_start3A_478 = arith.constant 256 : i32
    %dma_start3A_479 = arith.constant 0 : i32
    %dma_start3A_480 = tpu.memref_slice %arg10[%dma_start3A_478, %dma_start3A_479] : memref<512x64xf32, #tpu.memory_space<vmem>> -> memref<128x64xf32, #tpu.memory_space<vmem>>
    %dma_start3A_481 = arith.constant 0 : i32
    %dma_start3A_482 = tpu.memref_slice %arg8[%dma_start3A_477, %dma_start3A_481] : memref<4x128xi32, #tpu.memory_space<vmem>> -> memref<1x128xi32, #tpu.memory_space<vmem>>
    %dma_start3A_483 = tpu.memref_squeeze %dma_start3A_482 : memref<1x128xi32, #tpu.memory_space<vmem>> -> memref<128xi32, #tpu.memory_space<vmem>>
    %dma_start3A_484 = arith.constant 0 : i32
    %dma_start3A_485 = arith.constant 0 : i32
    %dma_start3A_486 = tpu.memref_slice %arg7[%dma_start3A_484, %dma_start3A_485] : memref<100000x64xf32, #tpu.memory_space<hbm>> -> memref<100000x64xf32, #tpu.memory_space<hbm>>
    tpu.enqueue_indirect_dma source(%dma_start3A_480 : memref<128x64xf32, #tpu.memory_space<vmem>>) target(%dma_start3A_486 : memref<100000x64xf32, #tpu.memory_space<hbm>>) offsets(%dma_start3A_483 : memref<128xi32, #tpu.memory_space<vmem>>) semaphore(%arg15 : memref<!tpu.dma_semaphore, #tpu.memory_space<semaphore_mem>>)
    %dma_start3A_487 = arith.constant 3 : i32
    %dma_start3A_488 = arith.constant 384 : i32
    %dma_start3A_489 = arith.constant 0 : i32
    %dma_start3A_490 = tpu.memref_slice %arg10[%dma_start3A_488, %dma_start3A_489] : memref<512x64xf32, #tpu.memory_space<vmem>> -> memref<128x64xf32, #tpu.memory_space<vmem>>
    %dma_start3A_491 = arith.constant 0 : i32
    %dma_start3A_492 = tpu.memref_slice %arg8[%dma_start3A_487, %dma_start3A_491] : memref<4x128xi32, #tpu.memory_space<vmem>> -> memref<1x128xi32, #tpu.memory_space<vmem>>
    %dma_start3A_493 = tpu.memref_squeeze %dma_start3A_492 : memref<1x128xi32, #tpu.memory_space<vmem>> -> memref<128xi32, #tpu.memory_space<vmem>>
    %dma_start3A_494 = arith.constant 0 : i32
    %dma_start3A_495 = arith.constant 0 : i32
    %dma_start3A_496 = tpu.memref_slice %arg7[%dma_start3A_494, %dma_start3A_495] : memref<100000x64xf32, #tpu.memory_space<hbm>> -> memref<100000x64xf32, #tpu.memory_space<hbm>>
    tpu.enqueue_indirect_dma source(%dma_start3A_490 : memref<128x64xf32, #tpu.memory_space<vmem>>) target(%dma_start3A_496 : memref<100000x64xf32, #tpu.memory_space<hbm>>) offsets(%dma_start3A_493 : memref<128xi32, #tpu.memory_space<vmem>>) semaphore(%arg15 : memref<!tpu.dma_semaphore, #tpu.memory_space<semaphore_mem>>)
    %dma_wait3A_497 = arith.constant 0 : i32
    %dma_wait3A_498 = arith.constant 0 : i32
    %dma_wait3A_499 = arith.constant 0 : i32
    %dma_wait3A_500 = tpu.memref_slice %arg10[%dma_wait3A_498, %dma_wait3A_499] : memref<512x64xf32, #tpu.memory_space<vmem>> -> memref<128x64xf32, #tpu.memory_space<vmem>>
    %dma_wait3A_501 = arith.constant 0 : i32
    %dma_wait3A_502 = tpu.memref_slice %arg8[%dma_wait3A_497, %dma_wait3A_501] : memref<4x128xi32, #tpu.memory_space<vmem>> -> memref<1x128xi32, #tpu.memory_space<vmem>>
    %dma_wait3A_503 = tpu.memref_squeeze %dma_wait3A_502 : memref<1x128xi32, #tpu.memory_space<vmem>> -> memref<128xi32, #tpu.memory_space<vmem>>
    %dma_wait3A_504 = arith.constant 0 : i32
    %dma_wait3A_505 = arith.constant 0 : i32
    %dma_wait3A_506 = tpu.memref_slice %arg7[%dma_wait3A_504, %dma_wait3A_505] : memref<100000x64xf32, #tpu.memory_space<hbm>> -> memref<100000x64xf32, #tpu.memory_space<hbm>>
    tpu.wait_indirect_dma semaphore(%arg15 : memref<!tpu.dma_semaphore, #tpu.memory_space<semaphore_mem>>) src(%dma_wait3A_500 : memref<128x64xf32, #tpu.memory_space<vmem>>) dst(%dma_wait3A_506 : memref<100000x64xf32, #tpu.memory_space<hbm>>)
    %dma_wait3A_507 = arith.constant 1 : i32
    %dma_wait3A_508 = arith.constant 128 : i32
    %dma_wait3A_509 = arith.constant 0 : i32
    %dma_wait3A_510 = tpu.memref_slice %arg10[%dma_wait3A_508, %dma_wait3A_509] : memref<512x64xf32, #tpu.memory_space<vmem>> -> memref<128x64xf32, #tpu.memory_space<vmem>>
    %dma_wait3A_511 = arith.constant 0 : i32
    %dma_wait3A_512 = tpu.memref_slice %arg8[%dma_wait3A_507, %dma_wait3A_511] : memref<4x128xi32, #tpu.memory_space<vmem>> -> memref<1x128xi32, #tpu.memory_space<vmem>>
    %dma_wait3A_513 = tpu.memref_squeeze %dma_wait3A_512 : memref<1x128xi32, #tpu.memory_space<vmem>> -> memref<128xi32, #tpu.memory_space<vmem>>
    %dma_wait3A_514 = arith.constant 0 : i32
    %dma_wait3A_515 = arith.constant 0 : i32
    %dma_wait3A_516 = tpu.memref_slice %arg7[%dma_wait3A_514, %dma_wait3A_515] : memref<100000x64xf32, #tpu.memory_space<hbm>> -> memref<100000x64xf32, #tpu.memory_space<hbm>>
    tpu.wait_indirect_dma semaphore(%arg15 : memref<!tpu.dma_semaphore, #tpu.memory_space<semaphore_mem>>) src(%dma_wait3A_510 : memref<128x64xf32, #tpu.memory_space<vmem>>) dst(%dma_wait3A_516 : memref<100000x64xf32, #tpu.memory_space<hbm>>)
    %dma_wait3A_517 = arith.constant 2 : i32
    %dma_wait3A_518 = arith.constant 256 : i32
    %dma_wait3A_519 = arith.constant 0 : i32
    %dma_wait3A_520 = tpu.memref_slice %arg10[%dma_wait3A_518, %dma_wait3A_519] : memref<512x64xf32, #tpu.memory_space<vmem>> -> memref<128x64xf32, #tpu.memory_space<vmem>>
    %dma_wait3A_521 = arith.constant 0 : i32
    %dma_wait3A_522 = tpu.memref_slice %arg8[%dma_wait3A_517, %dma_wait3A_521] : memref<4x128xi32, #tpu.memory_space<vmem>> -> memref<1x128xi32, #tpu.memory_space<vmem>>
    %dma_wait3A_523 = tpu.memref_squeeze %dma_wait3A_522 : memref<1x128xi32, #tpu.memory_space<vmem>> -> memref<128xi32, #tpu.memory_space<vmem>>
    %dma_wait3A_524 = arith.constant 0 : i32
    %dma_wait3A_525 = arith.constant 0 : i32
    %dma_wait3A_526 = tpu.memref_slice %arg7[%dma_wait3A_524, %dma_wait3A_525] : memref<100000x64xf32, #tpu.memory_space<hbm>> -> memref<100000x64xf32, #tpu.memory_space<hbm>>
    tpu.wait_indirect_dma semaphore(%arg15 : memref<!tpu.dma_semaphore, #tpu.memory_space<semaphore_mem>>) src(%dma_wait3A_520 : memref<128x64xf32, #tpu.memory_space<vmem>>) dst(%dma_wait3A_526 : memref<100000x64xf32, #tpu.memory_space<hbm>>)
    %dma_wait3A_527 = arith.constant 3 : i32
    %dma_wait3A_528 = arith.constant 384 : i32
    %dma_wait3A_529 = arith.constant 0 : i32
    %dma_wait3A_530 = tpu.memref_slice %arg10[%dma_wait3A_528, %dma_wait3A_529] : memref<512x64xf32, #tpu.memory_space<vmem>> -> memref<128x64xf32, #tpu.memory_space<vmem>>
    %dma_wait3A_531 = arith.constant 0 : i32
    %dma_wait3A_532 = tpu.memref_slice %arg8[%dma_wait3A_527, %dma_wait3A_531] : memref<4x128xi32, #tpu.memory_space<vmem>> -> memref<1x128xi32, #tpu.memory_space<vmem>>
    %dma_wait3A_533 = tpu.memref_squeeze %dma_wait3A_532 : memref<1x128xi32, #tpu.memory_space<vmem>> -> memref<128xi32, #tpu.memory_space<vmem>>
    %dma_wait3A_534 = arith.constant 0 : i32
    %dma_wait3A_535 = arith.constant 0 : i32
    %dma_wait3A_536 = tpu.memref_slice %arg7[%dma_wait3A_534, %dma_wait3A_535] : memref<100000x64xf32, #tpu.memory_space<hbm>> -> memref<100000x64xf32, #tpu.memory_space<hbm>>
    tpu.wait_indirect_dma semaphore(%arg15 : memref<!tpu.dma_semaphore, #tpu.memory_space<semaphore_mem>>) src(%dma_wait3A_530 : memref<128x64xf32, #tpu.memory_space<vmem>>) dst(%dma_wait3A_536 : memref<100000x64xf32, #tpu.memory_space<hbm>>)
    return
  }
}

</mosaic_0001>

<sc_bundles>
// kernel: _center_loss.3.cloned.1.call-start
scs
__scs_entry_jumppad:
0x0: {  	(pc) =	sbr.rel $0x88, $3  }
0x1: {  	(tag) =	ssettag $0x0;
	lr =	simm.s32 $0x1  }
0x2: {  	[smem:$0x3F9D] =	sst lr;
	_ =	strace $0xD0000000  }
0x3: {  	_ = 	snop  }
0x4: {  	_ = 	snop  }
0x5: {  	_ = 	snop  }
0x6: {  	_ = 	snop  }
0x7: {  	_ = 	snop  }
__scs_overlays_trampoline_lowered:
0x8: {  	[smem:$0x3FAC] =	sst s0  }
0x9: {  	[smem:$0x3FAD] =	sst s1  }
0xa: {  	[smem:$0x3FAE] =	sst s2  }
0xb: {  	[smem:$0x3FAF] =	sst s3  }
0xc: {  	[smem:$0x3FB0] =	sst s4  }
0xd: {  	[smem:$0x3FB1] =	sst s5  }
0xe: {  	[smem:$0x3FB2] =	sst s6  }
0xf: {  	[smem:$0x3FB3] =	sst s7  }
0x10: {  	[smem:$0x3FB4] =	sst s8  }
0x11: {  	[smem:$0x3FB5] =	sst s9;
	s0 =	simm.s32 @!p0 $0x0  }
0x12: {  	s1 =	sld [smem:$0x3F9B];
	s0 =	simm.s32 @p0 $0x1  }
0x13: {  	[smem:$0x3FB6] =	sst s0;
	s0 =	simm.s32 @!p1 $0x0  }
0x14: {  	s2 =	sld [smem:$0x3F9A];
	s0 =	simm.s32 @p1 $0x1  }
0x15: {  	[smem:$0x3FB7] =	sst s0;
	s0 =	simm.s32 @!p2 $0x0  }
0x16: {  	s3 =	sld [smem:$0x3FDB];
	s0 =	simm.s32 @p2 $0x1  }
0x17: {  	s4 =	simm.s32 $0x1BF5;
	[smem:$0x3FB9] =	sst s0  }
0x18: {  	s0 =	sld [smem:$0x3F9C];
	_ =	swait.ge [sflag:s4], $0x0  }
0x19: {  	s7 =	sld [smem:$0x3F9D]  }
0x1a: {  	s8 =	sadd.s32 $0xFFFFE003, lr  }
0x1b: {  	s9 =	sadd.s32 $0xFFFFFEF7, lr;
	s5 =	simm.s32 $0xFFFFFFFF;
	p2 =	slt.u32 s8, $0xFFFFF086  }
0x1c: {  	p1 =	slt.u32 s9, $0xF7A;
	s5 =	simm.s32 @!p2 $0x0  }
0x1d: {  	s5 =	simm.s32 @p1 $0x1;
	p0 =	seq.s32 s7, s2  }
0x1e: {  	s7 =	smul.u32 @!p0 $0xF7A, s2;
	p2 =	seq.s32 @!p0 s5, $0x0  }
0x1f: {  	s9 =	smul.u32 $0xF7A, s1;
	s8 =	simm.s32 @!p0 $0x1BF5;
	p2 =	por !p2, p0  }
0x20: {  	[sflag:s8] =	ssyncset.s32 @!p0 $0xFFFFF086;
	s6 =	sadd.s32 @!p0 s3, s7;
	s7 =	simm.s32 @!p0 $0x108  }
0x21: {  	s3 =	sadd.s32 s3, s9;
	s6 =	sadd.s32 @!p0 $0x88, s6;
	s7 =	simm.s32 @p2 $0x1082  }
0x22: {  	[simem:s7], [sflag:s8] =	dma.local @!p0 [hbm:s6], $0xF7A  }
0x23: {  	s9 =	sor.u32 $0xD0000000, s2;
	s6 =	simm.s32 $0x108;
	_ =	swait.ge @!p0 [sflag:s8], $0x0  }
0x24: {  	s3 =	sadd.s32 $0x88, s3;
	s6 =	simm.s32 @!p1 $0x1082;
	[sflag:s4] =	ssyncset.s32 $0xFFFFF086  }
0x25: {  	[simem:s6], [sflag:s4] =	dma.local [hbm:s3], $0xF7A  }
0x26: {  	[smem:$0x3F9D] =	sst s1;
	(tag) =	ssettag s2;
	_ =	strace s9  }
0x27: {  	s1 =	sld [smem:$0x3FAD]  }
0x28: {  	s2 =	sld [smem:$0x3FAE]  }
0x29: {  	s4 =	sld [smem:$0x3FB0]  }
0x2a: {  	p0 =	seq.s32 s5, $0x0;
	s5 =	sld [smem:$0x3FB1]  }
0x2b: {  	s6 =	sld [smem:$0x3FB2]  }
0x2c: {  	s7 =	sld [smem:$0x3FB3]  }
0x2d: {  	s3 =	simm.s32 $0x108;
	s8 =	sld [smem:$0x3FB4]  }
0x2e: {  	s3 =	simm.s32 @!p0 $0x1082;
	s9 =	sld [smem:$0x3FB5]  }
0x2f: {  	lr =	sadd.s32 s0, s3;
	s0 =	sld [smem:$0x3FAC]  }
0x30: {  	s3 =	sld [smem:$0x3FAF]  }
0x31: {  	[smem:$0x3FB8] =	sst s10  }
0x32: {  	s10 =	sld [smem:$0x3FB6];
	_ =	sdelay $0x3  }
0x33: {  	p0 =	seq.s32 s10, $0x1;
	s10 =	sld [smem:$0x3FB8];
	_ =	sdelay $0x3  }
0x34: {  	[smem:$0x3FB8] =	sst s10  }
0x35: {  	s10 =	sld [smem:$0x3FB7];
	_ =	sdelay $0x3  }
0x36: {  	p1 =	seq.s32 s10, $0x1;
	s10 =	sld [smem:$0x3FB8];
	_ =	sdelay $0x3  }
0x37: {  	[smem:$0x3FB8] =	sst s10  }
0x38: {  	s10 =	sld [smem:$0x3FB9]  }
0x39: {  	_ = 	snop;
	(pc) =	sbr.ind lr, $3  }
0x3a: {  	_ = 	snop  }
0x3b: {  	_ = 	snop  }
0x3c: {  	p2 =	seq.s32 s10, $0x1;
	s10 =	sld [smem:$0x3FB8]  }
0x3d: {  	_ =	shalt  }
0x3e: {  	_ =	shalt  }
0x3f: {  	_ =	shalt  }
0x40: {  	_ =	shalt  }
0x41: {  	_ =	shalt  }
0x42: {  	_ =	shalt  }
0x43: {  	_ =	shalt  }
0x44: {  	_ =	shalt  }
0x45: {  	_ =	shalt  }
0x46: {  	_ =	shalt  }
0x47: {  	_ =	shalt  }
0x48: {  	_ =	shalt  }
0x49: {  	_ =	shalt  }
0x4a: {  	_ =	shalt  }
0x4b: {  	_ =	shalt  }
0x4c: {  	_ =	shalt  }
0x4d: {  	_ =	shalt  }
0x4e: {  	_ =	shalt  }
0x4f: {  	_ =	shalt  }
0x50: {  	_ =	shalt  }
0x51: {  	_ =	shalt  }
0x52: {  	_ =	shalt  }
0x53: {  	_ =	shalt  }
0x54: {  	_ =	shalt  }
0x55: {  	_ =	shalt  }
0x56: {  	_ =	shalt  }
0x57: {  	_ =	shalt  }
0x58: {  	_ =	shalt  }
0x59: {  	_ =	shalt  }
0x5a: {  	_ =	shalt  }
0x5b: {  	_ =	shalt  }
0x5c: {  	_ =	shalt  }
0x5d: {  	_ =	shalt  }
0x5e: {  	_ =	shalt  }
0x5f: {  	_ =	shalt  }
0x60: {  	_ =	shalt  }
0x61: {  	_ =	shalt  }
0x62: {  	_ =	shalt  }
0x63: {  	_ =	shalt  }
0x64: {  	_ =	shalt  }
0x65: {  	_ =	shalt  }
0x66: {  	_ =	shalt  }
0x67: {  	_ =	shalt  }
0x68: {  	_ =	shalt  }
0x69: {  	_ =	shalt  }
0x6a: {  	_ =	shalt  }
0x6b: {  	_ =	shalt  }
0x6c: {  	_ =	shalt  }
0x6d: {  	_ =	shalt  }
0x6e: {  	_ =	shalt  }
0x6f: {  	_ =	shalt  }
0x70: {  	_ =	shalt  }
0x71: {  	_ =	shalt  }
0x72: {  	_ =	shalt  }
0x73: {  	_ =	shalt  }
0x74: {  	_ =	shalt  }
0x75: {  	_ =	shalt  }
0x76: {  	_ =	shalt  }
0x77: {  	_ =	shalt  }
0x78: {  	_ =	shalt  }
0x79: {  	_ =	shalt  }
0x7a: {  	_ =	shalt  }
0x7b: {  	_ =	shalt  }
0x7c: {  	_ =	shalt  }
0x7d: {  	_ =	shalt  }
0x7e: {  	_ =	shalt  }
0x7f: {  	_ =	shalt  }
0x80: {  	_ =	shalt  }
0x81: {  	_ =	shalt  }
0x82: {  	_ =	shalt  }
0x83: {  	_ =	shalt  }
0x84: {  	_ =	shalt  }
0x85: {  	_ =	shalt  }
0x86: {  	_ =	shalt  }
0x87: {  	_ =	shalt  }
.Lfunc_end0:
.L_simem_size_0:
called_computation_lowered:
.L_overlay_start_0:
0x88: {  	s2 =	sld [smem:$0x3FD9]  }
0x89: {  	s3 =	sld [smem:$0x3FFE];
	_ =	sdelay $0x1  }
0x8a: {  	s1 =	srdreg.scid  }
0x8b: {  	s0 =	sand.u32 $0x1, s1  }
0x8c: {  	s14 =	sshll.u32 s0, $0xA;
	s2 =	sadd.s32 s3, s2  }
0x8d: {  	s2 =	sadd.s32 s2, s14  }
0x8e: {  	[smem:$0x3FC4] =	sst s2  }
0x8f: {  	_ = 	snop  }
0x90: {  	s2 =	sld [smem:$0x3FD0];
	_ =	sdelay $0x1  }
0x91: {  	s15 =	sld [smem:$0x3FC8]  }
0x92: {  	s5 =	simm.s32 $0xA;
	s6 =	simm.s32 $0x10;
	s4 =	sld [smem:$0x3FC6]  }
0x93: {  	[smem:s6], [sflag:s5] =	dma.local [hbm:s2], $0x1  }
0x94: {  	_ =	swait.eq [sflag:s5], $0x1  }
0x95: {  	[sflag:s5] =	ssyncset.done $0x0  }
0x96: {  	s16 =	sld [smem:$0x10];
	[sflag:s5] =	ssyncadd.s32 $0xFFFFFFFF  }
0x97: {  	s17 =	sld [smem:$0x11];
	(tm) =	ssettm $0x1  }
0x98: {  	s18 =	sld [smem:$0x3FFB];
	_ =	sdelay $0x3  }
0x99: {  	_ =	strace s18  }
0x9a: {  	s6 =	sld [smem:$0x3FFC];
	_ =	sdelay $0x3  }
0x9b: {  	_ =	strace s6  }
0x9c: {  	s6 =	sld [smem:$0x3FFD];
	_ =	sdelay $0x3  }
0x9d: {  	_ =	strace s6  }
0x9e: {  	_ =	strace $0x8FFFFFFF  }
0x9f: {  	s19 =	sld [smem:$0x3FDB];
	_ =	sdelay $0x1  }
0xa0: {  	s7 =	simm.s32 $_scs_section_size  }
0xa1: {  	s8 =	simm.s32 $_size__tile_overlayer_lowered;
	s9 =	simm.s32 $_tile_overlayer_lowered  }
0xa2: {  	s22 =	simm.s32 $0x1BFF;
	s21 =	sshll.u32 s9, $0x1;
	s6 =	sadd.s32 s7, s19  }
0xa3: {  	s10 =	simm.s32 $0x0;
	s20 =	sshll.u32 s8, $0x1;
	s8 =	sadd.s32 s21, s6  }
0xa4: {  	[timem:s10], [sflag:s22] =	dma.local [hbm:s8], s20  }
0xa5: {  	_ =	swait.ge [sflag:s22], s20  }
0xa6: {  	s7 =	ssub.s32 $0x0, s20;
	[sflag:s22] =	ssyncset.done $0x0  }
0xa7: {  	[sflag:s22] =	ssyncadd.s32 s7;
	_ =	sdelay $0x1  }
0xa8: {  	s23 =	simm.s32 $0x1B8B  }
0xa9: {  	_ =	swait.ge [sflag:s23], $0x1  }
0xaa: {  	[sflag:s23] =	ssyncset.done $0x0  }
0xab: {  	s25 =	simm.s32 $0x1B8E;
	s24 =	sld [smem:$0x3FFE];
	[sflag:s23] =	ssyncadd.s32 $0xFFFFFFFF  }
0xac: {  	s26 =	simm.s32 $execute0_lowered;
	[smem:$0x3FD2] =	sst s25  }
0xad: {  	s8 =	sshll.u32 s26, $0x1;
	_ =	strace $0x80000046;
	[dreg:$0x1] =	wrdreg $0xFFFFFFFF  }
0xae: {  	s28 =	simm.s32 $_size_execute0_lowered;
	s6 =	sadd.s32 s6, s8;
	[dreg:$0x0] =	wrdreg $0x0  }
0xaf: {  	s8 =	sshll.u32 s28, $0x1;
	[dreg:$0x2] =	wrdreg s6  }
0xb0: {  	[dreg:$0x3] =	wrdreg s8  }
0xb1: {  	[dreg:$0x4] =	wrdreg $0xC0  }
0xb2: {  	_ =	task [dreg:s10], $0x5FFFF  }
0xb3: {  	[dreg:$0x1] =	wrdreg $0xFFFFFFFF  }
0xb4: {  	[dreg:$0x0] =	wrdreg $0x60  }
0xb5: {  	[dreg:$0x2] =	wrdreg s24  }
0xb6: {  	[dreg:$0x3] =	wrdreg s15  }
0xb7: {  	[dreg:$0x4] =	wrdreg s17  }
0xb8: {  	[dreg:$0x5] =	wrdreg s4  }
0xb9: {  	[dreg:$0x6] =	wrdreg s16  }
0xba: {  	[dreg:$0x7] =	wrdreg $0x9  }
0xbb: {  	_ =	task.clear_ibuf [dreg:s10], $0x8FFFF;
	_ =	strace $0x90000046  }
0xbc: {  	s29 =	simm.s32 $0x9;
	_ =	strace $0x80000048  }
0xbd: {  	_ =	swait.ge [sflag:s29], $0x1  }
0xbe: {  	[sflag:s29] =	ssyncadd.s32 $0xFFFFFFFF  }
0xbf: {  	_ =	strace $0x90000048  }
0xc0: {  	_ =	sfence  }
0xc1: {  	s30 =	sld [smem:$0x0];
	_ =	sdelay $0x2  }
0xc2: {  	s31 =	sshll.u32 s1, $0xD;
	s1 =	sshrl.u32 s1, $0x2  }
0xc3: {  	s3 =	sand.u32 $0x4000, s31;
	s1 =	sadd.s32 s1, s30  }
0xc4: {  	s0 =	sor.u32 s3, s0;
	s1 =	sshll.u32 s1, $0x11  }
0xc5: {  	s0 =	sor.u32 s1, s0  }
0xc6: {  	s0 =	sadd.s32 $0x8F2B, s0  }
0xc7: {  	[sflag:s0] =	ssyncadd.remote.s32 $0x1  }
0xc8: {  	_ =	sfence.sel $0xFFFF  }
0xc9: {  	[dreg:$0x0] =	wrdreg $0xFFFFFFFF;
	(pc) =	sbr.abs _section_cstart, $3  }
0xca: {  	[dreg:$0x1] =	wrdreg $0xFFFFFFFF  }
0xcb: {  	_ =	task.clear_ibuf [dreg:s10], $0x2FFFF;
	_ =	strace $0x9FFFFFFF  }
0xcc: {  	(tm) =	ssettm $0x7FFFFFFF  }
0xcd: {  	_ =	shalt  }
tec
execute0_lowered:
.L_overlay_start_1:
0x0: {  	(tag) =	ssettag $0x1  }
0x1: {  	s0 =	rddreg [dreg:$0x0]  }
0x2: {  	s2 =	rddreg [dreg:$0x1]  }
0x3: {  	s1 =	rddreg [dreg:$0x2];
	s3 =	srdreg.scid  }
0x4: {  	s4 =	stileid.u32;
	s6 =	rddreg [dreg:$0x4];
	s30 =	simm.s32 $0x80  }
0x5: {  	s31 =	simm.s32 $0x8200;
	s28 =	simm.s32 $0x180;
	s29 =	simm.s32 $0xE200  }
0x6: {  	s3 =	sand.u32 $0x1, s3;
	s5 =	sshll.u32 s4, $0x1;
	s4 =	simm.s32 $0x0  }
0x7: {  	s10 =	simm.s32 $0x1;
	s7 =	sor.u32 s3, s5;
	[smem:$0x7FF] =	sst s4  }
0x8: {  	s3 =	ssub.s32 $0x2, s3;
	s5 =	sshll.u32 s7, $0xC;
	s8 =	smul.u32 $0xC38, s7  }
0x9: {  	_ =	strace $0x80000047;
	s11 =	sshrl.u32 s3, $0x1;
	s12 =	sshll.u32 s7, $0x6  }
0xa: {  	s25 =	sshll.u32 s7, $0x1;
	s7 =	simm.s32 $0x16420;
	s9 =	sadd.s32 s5, s0  }
0xb: {  	s5 =	sadd.s32 $0x20A00, s0;
	s0 =	ssub.s32 s3, s11;
	s2 =	sadd.s32 s2, s12  }
0xc: {  	s11 =	simm.s32 $0x0;
	s8 =	smin.u32 s8, $0x17A68;
	[dreg:$0x6] =	wrdreg s2  }
0xd: {  	s13 =	sadd.s32 $0xA00, s9;
	s9 =	simm.s32 $0x3;
	s8 =	sshll.u32 s8, $0x3  }
0xe: {  	[dreg:$0x7] =	wrdreg s13;
	s14 =	sadd.s32 $0xC40, s8;
	s15 =	sadd.s32 s1, s8  }
0xf: {  	s17 =	sadd.s32 $0x1880, s8;
	s18 =	sadd.s32 s5, s8;
	s20 =	sadd.s32 $0x24C0, s8  }
0x10: {  	s22 =	sadd.s32 $0x3100, s8;
	s23 =	sadd.s32 $0x3D40, s8;
	[dreg:$0x8] =	wrdreg s15  }
0x11: {  	s24 =	sadd.s32 $0x4980, s8;
	s16 =	sadd.s32 s1, s14;
	[dreg:$0xa] =	wrdreg s18  }
0x12: {  	s26 =	sadd.s32 $0x55C0, s8;
	s19 =	sadd.s32 s1, s17;
	[dreg:$0x9] =	wrdreg s16  }
0x13: {  	s8 =	simm.s32 $0x2;
	s2 =	sadd.s32 s5, s14;
	[dreg:$0xb] =	wrdreg s19  }
0x14: {  	s21 =	sadd.s32 s1, s20;
	s3 =	sadd.s32 s5, s17;
	[dreg:$0xc] =	wrdreg s2  }
0x15: {  	s15 =	sadd.s32 s1, s22;
	s17 =	sadd.s32 s1, s23;
	[dreg:$0xd] =	wrdreg s21  }
0x16: {  	s18 =	sadd.s32 s5, s22;
	s22 =	sadd.s32 s1, s26;
	[dreg:$0xe] =	wrdreg s3  }
0x17: {  	s16 =	sadd.s32 s5, s20;
	s19 =	sadd.s32 s1, s24;
	s20 =	sadd.s32 s5, s23  }
0x18: {  	s21 =	sadd.s32 s6, s25;
	s23 =	sadd.s32 s5, s24;
	s24 =	sadd.s32 s5, s26  }
0x19: {  	s25 =	smax.u32 s0, $0x1;
	s26 =	simm.s32 $0x4;
	s2 =	simm.s32 $0xA200  }
0x1a: {  	s0 =	simm.s32 $0x100;
	s3 =	simm.s32 $0xC200;
	s6 =	simm.s32 $0x10220  }
.LBB2_1:
0x1b: {  	s12 =	rddreg [dreg:$0x6]  }
0x1c: {  	[tilespmem:s4], [sflag:$0x4] =	stream.linear.gather [hbm4b:s12+s4], $0x200, $0x38;
	[tilespmem:$0x1C620] =	vst v63  }
0x1d: {  	_ =	swait.ge [sflag:s26], $0x200  }
0x1e: {  	[sflag:s26] =	ssyncset.done $0x0  }
0x1f: {  	[sflag:s26] =	ssyncadd.s32 $0xFFFFFE00  }
0x20: {  	s13 =	simm.s32 $0x10200;
	s14 =	rddreg [dreg:$0x3]  }
0x21: {  	[tilespmem:s13], [sflag:$0x4] =	stream.linear.gather [hbm4b:s14+s4], $0x10, $0x38;
	[tilespmem:$0x1C620] =	vst v63  }
0x22: {  	_ =	swait.ge [sflag:s26], $0x10  }
0x23: {  	[sflag:s26] =	ssyncset.done $0x0  }
0x24: {  	s14 =	simm.s32 $0x200;
	s13 =	rddreg [dreg:$0x7];
	[sflag:s26] =	ssyncadd.s32 $0xFFFFFFF0  }
0x25: {  	[tilespmem:s14], [sflag:$0x1] =	stream.linear.gather [hbm4b:s13+s4], $0x8000, $0x38;
	[tilespmem:$0x1C620] =	vst v63  }
0x26: {  	_ = 	snop  }
0x27: {  	[tilespmem:s31], [sflag:$0x1] =	stream.indirect.gather [hbm4b:s1+s30], $0x40, s4, s30, $0xb8;
	[tilespmem:$0x1C620] =	vst v63  }
0x28: {  	_ = 	snop  }
0x29: {  	[tilespmem:s2], [sflag:$0x1] =	stream.indirect.gather [hbm4b:s1+s30], $0x40, s30, s30, $0xb8;
	[tilespmem:$0x1C620] =	vst v63  }
0x2a: {  	_ = 	snop  }
0x2b: {  	[tilespmem:s3], [sflag:$0x1] =	stream.indirect.gather [hbm4b:s1+s30], $0x40, s0, s30, $0xb8;
	[tilespmem:$0x1C620] =	vst v63  }
0x2c: {  	_ = 	snop  }
0x2d: {  	[tilespmem:s29], [sflag:$0x1] =	stream.indirect.gather [hbm4b:s1+s30], $0x40, s28, s30, $0xb8;
	[tilespmem:$0x1C620] =	vst v63  }
0x2e: {  	s14 =	rddreg [dreg:$0x8]  }
0x2f: {  	[tilespmem:s6], [sflag:$0x2] =	stream.linear.gather [hbm4b:s14+s4], $0x6200, $0x38;
	[tilespmem:$0x1C620] =	vst v63  }
0x30: {  	s13 =	rddreg [dreg:$0x9]  }
0x31: {  	[tilespmem:s7], [sflag:$0x2] =	stream.linear.gather [hbm4b:s13+s4], $0x6200, $0x38;
	[tilespmem:$0x1C620] =	vst v63  }
0x32: {  	_ =	swait.ge [sflag:s8], $0x6200  }
0x33: {  	[sflag:s8] =	ssyncset.done $0x0  }
0x34: {  	s14 =	rddreg [dreg:$0xa];
	[sflag:s8] =	ssyncadd.s32 $0xFFFF9E00  }
0x35: {  	[hbm4b:s14+s4] =	stream.linear.scatter [tilespmem:s6], [sflag:$0x3], $0x6200, $0x38;
	[tilespmem:$0x1C620] =	vst v63  }
0x36: {  	_ =	swait.ge [sflag:s9], $0x6200  }
0x37: {  	[sflag:s9] =	ssyncset.done $0x0  }
0x38: {  	s13 =	rddreg [dreg:$0xb];
	[sflag:s9] =	ssyncadd.s32 $0xFFFF9E00  }
0x39: {  	[tilespmem:s6], [sflag:$0x2] =	stream.linear.gather [hbm4b:s13+s4], $0x6200, $0x38;
	[tilespmem:$0x1C620] =	vst v63  }
0x3a: {  	_ =	swait.ge [sflag:s8], $0x6200  }
0x3b: {  	[sflag:s8] =	ssyncset.done $0x0  }
0x3c: {  	s14 =	rddreg [dreg:$0xc];
	[sflag:s8] =	ssyncadd.s32 $0xFFFF9E00  }
0x3d: {  	[hbm4b:s14+s4] =	stream.linear.scatter [tilespmem:s7], [sflag:$0x3], $0x6200, $0x38;
	[tilespmem:$0x1C620] =	vst v63  }
0x3e: {  	_ =	swait.ge [sflag:s9], $0x6200  }
0x3f: {  	[sflag:s9] =	ssyncset.done $0x0  }
0x40: {  	s13 =	rddreg [dreg:$0xd];
	[sflag:s9] =	ssyncadd.s32 $0xFFFF9E00  }
0x41: {  	[tilespmem:s7], [sflag:$0x2] =	stream.linear.gather [hbm4b:s13+s4], $0x6200, $0x38;
	[tilespmem:$0x1C620] =	vst v63  }
0x42: {  	_ =	swait.ge [sflag:s8], $0x6200  }
0x43: {  	[sflag:s8] =	ssyncset.done $0x0  }
0x44: {  	s14 =	rddreg [dreg:$0xe];
	[sflag:s8] =	ssyncadd.s32 $0xFFFF9E00  }
0x45: {  	[hbm4b:s14+s4] =	stream.linear.scatter [tilespmem:s6], [sflag:$0x3], $0x6200, $0x38;
	[tilespmem:$0x1C620] =	vst v63  }
0x46: {  	_ =	swait.ge [sflag:s9], $0x6200  }
0x47: {  	[sflag:s9] =	ssyncset.done $0x0  }
0x48: {  	[sflag:s9] =	ssyncadd.s32 $0xFFFF9E00  }
0x49: {  	[tilespmem:s6], [sflag:$0x2] =	stream.linear.gather [hbm4b:s15+s4], $0x6200, $0x38;
	[tilespmem:$0x1C620] =	vst v63  }
0x4a: {  	_ =	swait.ge [sflag:s8], $0x6200  }
0x4b: {  	[sflag:s8] =	ssyncset.done $0x0  }
0x4c: {  	[sflag:s8] =	ssyncadd.s32 $0xFFFF9E00  }
0x4d: {  	[hbm4b:s16+s4] =	stream.linear.scatter [tilespmem:s7], [sflag:$0x3], $0x6200, $0x38;
	[tilespmem:$0x1C620] =	vst v63  }
0x4e: {  	_ =	swait.ge [sflag:s9], $0x6200  }
0x4f: {  	[sflag:s9] =	ssyncset.done $0x0  }
0x50: {  	[sflag:s9] =	ssyncadd.s32 $0xFFFF9E00  }
0x51: {  	[tilespmem:s7], [sflag:$0x2] =	stream.linear.gather [hbm4b:s17+s4], $0x6200, $0x38;
	[tilespmem:$0x1C620] =	vst v63  }
0x52: {  	_ =	swait.ge [sflag:s8], $0x6200  }
0x53: {  	[sflag:s8] =	ssyncset.done $0x0  }
0x54: {  	[sflag:s8] =	ssyncadd.s32 $0xFFFF9E00  }
0x55: {  	[hbm4b:s18+s4] =	stream.linear.scatter [tilespmem:s6], [sflag:$0x3], $0x6200, $0x38;
	[tilespmem:$0x1C620] =	vst v63  }
0x56: {  	_ =	swait.ge [sflag:s9], $0x6200  }
0x57: {  	[sflag:s9] =	ssyncset.done $0x0  }
0x58: {  	[sflag:s9] =	ssyncadd.s32 $0xFFFF9E00  }
0x59: {  	[tilespmem:s6], [sflag:$0x2] =	stream.linear.gather [hbm4b:s19+s4], $0x6200, $0x38;
	[tilespmem:$0x1C620] =	vst v63  }
0x5a: {  	_ =	swait.ge [sflag:s8], $0x6200  }
0x5b: {  	[sflag:s8] =	ssyncset.done $0x0  }
0x5c: {  	[sflag:s8] =	ssyncadd.s32 $0xFFFF9E00  }
0x5d: {  	[hbm4b:s20+s4] =	stream.linear.scatter [tilespmem:s7], [sflag:$0x3], $0x6200, $0x38;
	[tilespmem:$0x1C620] =	vst v63  }
0x5e: {  	_ =	swait.ge [sflag:s9], $0x6200  }
0x5f: {  	[sflag:s9] =	ssyncset.done $0x0  }
0x60: {  	[sflag:s9] =	ssyncadd.s32 $0xFFFF9E00  }
0x61: {  	[tilespmem:s7], [sflag:$0x2] =	stream.linear.gather [hbm4b:s22+s4], $0x6000, $0x38;
	[tilespmem:$0x1C620] =	vst v63  }
0x62: {  	_ =	swait.ge [sflag:s8], $0x6200  }
0x63: {  	[sflag:s8] =	ssyncset.done $0x0  }
0x64: {  	[sflag:s8] =	ssyncadd.s32 $0xFFFF9E00  }
0x65: {  	[hbm4b:s23+s4] =	stream.linear.scatter [tilespmem:s6], [sflag:$0x3], $0x6200, $0x38;
	[tilespmem:$0x1C620] =	vst v63  }
0x66: {  	_ =	swait.ge [sflag:s9], $0x6200  }
0x67: {  	[sflag:s9] =	ssyncset.done $0x0  }
0x68: {  	[sflag:s9] =	ssyncadd.s32 $0xFFFF9E00  }
0x69: {  	_ =	swait.ge [sflag:s8], $0x6000  }
0x6a: {  	[sflag:s8] =	ssyncset.done $0x0  }
0x6b: {  	[sflag:s8] =	ssyncadd.s32 $0xFFFFA000  }
0x6c: {  	[hbm4b:s24+s4] =	stream.linear.scatter [tilespmem:s7], [sflag:$0x3], $0x6000, $0x38;
	[tilespmem:$0x1C620] =	vst v63  }
0x6d: {  	_ =	swait.ge [sflag:s9], $0x6000  }
0x6e: {  	[sflag:s9] =	ssyncset.done $0x0  }
0x6f: {  	[sflag:s9] =	ssyncadd.s32 $0xFFFFA000  }
0x70: {  	_ =	swait.ge [sflag:s10], $0x8000  }
0x71: {  	[sflag:s10] =	ssyncset.done $0x0  }
0x72: {  	[sflag:s10] =	ssyncadd.s32 $0xFFFF8000  }
0x73: {  	_ =	swait.ge [sflag:s10], $0x2000  }
0x74: {  	[sflag:s10] =	ssyncset.done $0x0  }
0x75: {  	[sflag:s10] =	ssyncadd.s32 $0xFFFFE000  }
0x76: {  	_ =	swait.ge [sflag:s10], $0x2000  }
0x77: {  	[sflag:s10] =	ssyncset.done $0x0  }
0x78: {  	[sflag:s10] =	ssyncadd.s32 $0xFFFFE000  }
0x79: {  	_ =	swait.ge [sflag:s10], $0x2000  }
0x7a: {  	[sflag:s10] =	ssyncset.done $0x0  }
0x7b: {  	[sflag:s10] =	ssyncadd.s32 $0xFFFFE000  }
0x7c: {  	_ =	swait.ge [sflag:s10], $0x2000  }
0x7d: {  	[sflag:s10] =	ssyncset.done $0x0  }
0x7e: {  	[sflag:s10] =	ssyncadd.s32 $0xFFFFE000  }
0x7f: {  	s13 =	simm.s32 $0x0;
	v0 =	vld [tilespmem:$0x10200]  }
0x80: {  	v1 =	vld [tilespmem:s13+$0x220]  }
0x81: {  	v4 =	vld [tilespmem:s13+$0x230]  }
0x82: {  	v5 =	vld [tilespmem:s13+$0x210]  }
0x83: {  	v6 =	vld [tilespmem:s13+$0x200]  }
0x84: {  	v9 =	vld [tilespmem:s13+$0x8200]  }
0x85: {  	v13 =	vld [tilespmem:s13+$0x8230]  }
0x86: {  	v3 =	vld [tilespmem:s13+$0x8220]  }
0x87: {  	v2 =	vld [tilespmem:s13+$0x8210];
	_ =	sdelay $0x1  }
0x88: {  	v6 =	vsub.f32 v9, v6  }
0x89: {  	v8 =	vimm.f32 $0.0e+00;
	v4 =	vsub.f32 v13, v4  }
0x8a: {  	s12 =	simm.s32 $0x40;
	v7 =	vsub.f32 v3, v1;
	v10 =	vmul.f32 v6, v6;
	v6 =	vmul.f32 v6, v0  }
0x8b: {  	v1 =	vld [tilespmem:s12+$0x220];
	v12 =	vsub.f32 v2, v5;
	v5 =	vmul.f32 v4, v4;
	v14 =	vmul.f32 v4, v0  }
0x8c: {  	v4 =	vld [tilespmem:s12+$0x230];
	v8 =	vadd.f32 v10, v8;
	v11 =	vsub.f32 v9, v6;
	v10 =	vmul.f32 v7, v0  }
0x8d: {  	s14 =	simm.s32 $0x200;
	v6 =	vld [tilespmem:s12+$0x210];
	v9 =	vmul.f32 v12, v12;
	v12 =	vmul.f32 v12, v0;
	v13 =	vsub.f32 v13, v14  }
.LBB2_2:
0x8e: {  	p0 =	sne.s32 s14, $0x1FF00;
	v14 =	vld [tilespmem:s12+$0x200];
	[tilespmem:s13+$0x8200] =	vst v11;
	v7 =	vmul.f32 v7, v7;
	v3 =	vsub.f32 v3, v10  }
0x8f: {  	v10 =	vld [tilespmem:s12+$0x8200];
	v8 =	vadd.f32 v9, v8;
	v2 =	vsub.f32 v2, v12;
	[tilespmem:s13+$0x8230] =	vst v13  }
0x90: {  	v13 =	vld [tilespmem:s12+$0x8230];
	[tilespmem:s13+$0x8220] =	vst v3  }
0x91: {  	v3 =	vld [tilespmem:s12+$0x8220];
	[tilespmem:s13+$0x8210] =	vst v2;
	v7 =	vadd.f32 v7, v8;
	s13 =	smov.u32 s12  }
0x92: {  	v2 =	vld [tilespmem:s13+$0x8210]  }
0x93: {  	v8 =	vadd.f32 v5, v7  }
0x94: {  	v5 =	vsub.f32 v10, v14  }
.Ltmp0:
0x95: {  	v4 =	vsub.f32 v13, v4;
	(pc) =	sbr.rel @p0 .LBB2_2-.Ltmp0, $4  }
0x96: {  	s12 =	sshra.s32 s14, $0x2;
	v9 =	vmul.f32 v5, v5;
	v11 =	vmul.f32 v5, v0;
	v7 =	vsub.f32 v3, v1  }
0x97: {  	v1 =	vld [tilespmem:s12+$0x220];
	v12 =	vsub.f32 v2, v6;
	v5 =	vmul.f32 v4, v4;
	v14 =	vmul.f32 v4, v0  }
0x98: {  	v4 =	vld [tilespmem:s12+$0x230];
	v8 =	vadd.f32 v9, v8;
	v11 =	vsub.f32 v10, v11;
	v10 =	vmul.f32 v7, v0  }
0x99: {  	s14 =	sadd.s32 $0x100, s14;
	v6 =	vld [tilespmem:s12+$0x210];
	v9 =	vmul.f32 v12, v12;
	v12 =	vmul.f32 v12, v0;
	v13 =	vsub.f32 v13, v14  }
0x9a: {  	v14 =	vld [tilespmem:s12+$0x200];
	[tilespmem:s13+$0x8200] =	vst v11;
	v3 =	vsub.f32 v3, v10  }
0x9b: {  	v11 =	vld [tilespmem:s12+$0x8200];
	[tilespmem:s13+$0x8230] =	vst v13;
	v2 =	vsub.f32 v2, v12  }
0x9c: {  	v56 =	vld [tilespmem:s12+$0x8230];
	[tilespmem:s13+$0x8220] =	vst v3  }
0x9d: {  	v3 =	vld [tilespmem:s12+$0x8220];
	[tilespmem:s13+$0x8210] =	vst v2  }
0x9e: {  	v2 =	vld [tilespmem:s12+$0x8210]  }
0x9f: {  	v7 =	vmul.f32 v7, v7;
	v8 =	vadd.f32 v9, v8;
	_ =	sdelay $0x1  }
0xa0: {  	v7 =	vadd.f32 v7, v8;
	v57 =	vsub.f32 v11, v14;
	_ =	sdelay $0x1  }
0xa1: {  	v5 =	vadd.f32 v5, v7;
	v58 =	vmul.f32 v57, v57;
	v6 =	vsub.f32 v2, v6  }
0xa2: {  	v4 =	vsub.f32 v56, v4;
	v8 =	vmul.f32 v57, v0  }
0xa3: {  	v1 =	vsub.f32 v3, v1;
	v5 =	vadd.f32 v58, v5;
	v59 =	vmul.f32 v6, v6  }
0xa4: {  	v60 =	vmul.f32 v4, v0;
	v8 =	vsub.f32 v11, v8  }
0xa5: {  	v61 =	vmul.f32 v1, v0;
	v1 =	vmul.f32 v1, v1;
	v5 =	vadd.f32 v59, v5  }
0xa6: {  	v62 =	vmul.f32 v6, v0;
	v63 =	vsub.f32 v56, v60  }
0xa7: {  	v4 =	vmul.f32 v4, v4;
	[tilespmem:s12+$0x8200] =	vst v8;
	v3 =	vsub.f32 v3, v61;
	v1 =	vadd.f32 v1, v5  }
0xa8: {  	v0 =	vsub.f32 v2, v62;
	[tilespmem:s12+$0x8230] =	vst v63  }
0xa9: {  	[tilespmem:s12+$0x8220] =	vst v3;
	v1 =	vadd.f32 v4, v1  }
0xaa: {  	[tilespmem:s12+$0x8210] =	vst v0  }
0xab: {  	s14 =	simm.s32 $0x10210;
	[tilespmem:$0x10210] =	vst v1  }
0xac: {  	[hbm4b:s21+s4] =	stream.linear.scatter [tilespmem:s14], [sflag:$0x4], $0x10, $0x38;
	[tilespmem:$0x1C620] =	vst v63  }
0xad: {  	_ =	swait.ge [sflag:s26], $0x10  }
0xae: {  	[sflag:s26] =	ssyncset.done $0x0  }
0xaf: {  	[sflag:s26] =	ssyncadd.s32 $0xFFFFFFF0  }
0xb0: {  	[bflag:$0x0] =	sbarrier.arrive $0xFFFF  }
0xb1: {  	[hbm4b:s5+s30] =	stream.indirect.scatter [tilespmem:s31], [sflag:$0x1], $0x40, s4, s30, $0xb8;
	[tilespmem:$0x1C620] =	vst v63  }
0xb2: {  	_ = 	snop  }
0xb3: {  	[hbm4b:s5+s30] =	stream.indirect.scatter [tilespmem:s2], [sflag:$0x1], $0x40, s30, s30, $0xb8;
	[tilespmem:$0x1C620] =	vst v63  }
0xb4: {  	_ = 	snop  }
0xb5: {  	[hbm4b:s5+s30] =	stream.indirect.scatter [tilespmem:s3], [sflag:$0x1], $0x40, s0, s30, $0xb8;
	[tilespmem:$0x1C620] =	vst v63  }
0xb6: {  	_ = 	snop  }
0xb7: {  	[hbm4b:s5+s30] =	stream.indirect.scatter [tilespmem:s29], [sflag:$0x1], $0x40, s28, s30, $0xb8;
	[tilespmem:$0x1C620] =	vst v63  }
0xb8: {  	_ =	swait.ge [sflag:s10], $0x2000  }
0xb9: {  	[sflag:s10] =	ssyncset.done $0x0  }
0xba: {  	[sflag:s10] =	ssyncadd.s32 $0xFFFFE000  }
0xbb: {  	_ =	swait.ge [sflag:s10], $0x2000  }
0xbc: {  	[sflag:s10] =	ssyncset.done $0x0  }
0xbd: {  	s11 =	sadd.s32 $0x1, s11;
	[sflag:s10] =	ssyncadd.s32 $0xFFFFE000  }
0xbe: {  	p0 =	sne.s32 s11, s25;
	_ =	swait.ge [sflag:s10], $0x2000  }
.Ltmp1:
0xbf: {  	[sflag:s10] =	ssyncset.done $0x0;
	(pc) =	sbr.rel @p0 .LBB2_1-.Ltmp1, $4  }
0xc0: {  	[sflag:s10] =	ssyncadd.s32 $0xFFFFE000  }
0xc1: {  	_ =	swait.ge [sflag:s10], $0x2000  }
0xc2: {  	[sflag:s10] =	ssyncset.done $0x0  }
0xc3: {  	[sflag:s10] =	ssyncadd.s32 $0xFFFFE000  }
0xc4: {  	_ =	sfence.sel $0x180000  }
0xc5: {  	[bflag:$0x0] =	sbarrier.arrive $0xFFFF  }
0xc6: {  	_ =	strace $0x90000047  }
0xc7: {  	s0 =	stileid.u32;
	[bflag:$0x2] =	sbarrier.arrive $0xFFFF  }
0xc8: {  	p0 =	sne.s32 s0, $0x0;
	s0 =	rddreg [dreg:$0x5]  }
0xc9: {  	s0 =	sadd.s32 @!p0 $0x100000, s0  }
0xca: {  	[sflag:s0] =	ssyncadd.tile.s32 @!p0 $0x1;
	_ =	shalt  }
.Lfunc_end2:
_tile_overlayer_lowered:
.L_overlay_start_2:
0xcb: {  	(tag) =	ssettag $0x2  }
0xcc: {  	s0 =	rddreg [dreg:$0x0];
	s2 =	stileid.u32  }
0xcd: {  	s1 =	rddreg [dreg:$0x1];
	p0 =	sne.s32 s2, $0x0  }
0xce: {  	s3 =	rddreg [dreg:$0x2];
	[bflag:$0x3] =	sbarrier.arrive $0xFFFF;
	s2 =	simm.s32 @!p0 $0x1C04  }
0xcf: {  	[timem:s3], [sflag:s2] =	dma.local @!p0 [hbm:s0], s1  }
0xd0: {  	s0 =	simm.s32 @!p0 $0x4  }
0xd1: {  	_ =	swait.ge @!p0 [sflag:s0], s1  }
0xd2: {  	s1 =	ssub.s32 @!p0 $0x0, s1;
	[sflag:s0] =	ssyncset.done @!p0 $0x0  }
0xd3: {  	[sflag:s0] =	ssyncadd.s32 @!p0 s1  }
0xd4: {  	[bflag:$0x3] =	sbarrier.arrive $0xFFFF  }
0xd5: {  	_ =	shalt  }

</sc_bundles>
